<compile_context>
chip_gen: v7x
topology: tpu7x:2x2x1
jax: 0.10.2.dev20260603
libtpu: 0.0.44.dev20260713+nightly
codegen_flags: <defaults>
</compile_context>

<pallas_src>
import functools

import jax
import jax.numpy as jnp
from jax import lax
from jax.experimental import pallas as pl
from jax.experimental.pallas import tpu as pltpu
from jax.experimental.pallas import tpu_sc as plsc

N = 10000
E = 160000
F = 256
NH = 256
NC = 2
NS = 16
NW = NC * NS
B = 128
EPAD = 163840
ROWS = 10240
RPT = ROWS // NS
DUMP = ROWS - N

_mesh = plsc.VectorSubcoreMesh(core_axis_name="c", subcore_axis_name="s")


@functools.partial(
    pl.kernel,
    out_type=jax.ShapeDtypeStruct((NC * ROWS, 16), jnp.float32),
    mesh=_mesh,
    scratch_types=[
        pltpu.VMEM((B,), jnp.int32),
        pltpu.VMEM((B, 16), jnp.float32),
        pltpu.VMEM_SHARED((ROWS, 16), jnp.float32),
    ],
)
def _deg_kernel(dst_hbm, ones_hbm, zeros_hbm, deg_out, dstb, onesb, acc):
    c = lax.axis_index("c")
    s = lax.axis_index("s")
    wid = c * NS + s
    pltpu.sync_copy(zeros_hbm, acc.at[pl.ds(s * RPT, RPT)])
    pltpu.sync_copy(ones_hbm, onesb)
    plsc.subcore_barrier()
    base = wid * (EPAD // NW)

    def body(j, carry):
        pltpu.sync_copy(dst_hbm.at[pl.ds(base + j * B, B)], dstb)
        pltpu.sync_copy(onesb, acc.at[dstb], add=True)
        return carry

    lax.fori_loop(0, EPAD // NW // B, body, 0)
    plsc.subcore_barrier()
    pltpu.sync_copy(acc.at[pl.ds(s * RPT, RPT)],
                    deg_out.at[pl.ds(c * ROWS + s * RPT, RPT)])


@functools.partial(
    pl.kernel,
    out_type=jax.ShapeDtypeStruct((4 * ROWS, 128), jnp.float32),
    mesh=_mesh,
    scratch_types=[
        pltpu.VMEM((B,), jnp.int32),
        pltpu.VMEM((B,), jnp.int32),
        pltpu.VMEM((B, 128), jnp.float32),
        pltpu.VMEM_SHARED((ROWS, 128), jnp.float32),
        pltpu.SemaphoreType.DMA,
    ],
)
def _scatter_kernel(hs_hbm, src4_hbm, dst_hbm, zeros_hbm, s_out,
                    srcb, dstb, rows, acc, sem):
    c = lax.axis_index("c")
    s = lax.axis_index("s")
    ept = EPAD // NS
    base = s * ept
    for k in range(2):
        chunk = c * 2 + k
        pltpu.sync_copy(zeros_hbm, acc.at[pl.ds(s * RPT, RPT)])
        plsc.subcore_barrier()

        def body(j, carry):
            off = base + j * B
            pltpu.sync_copy(src4_hbm.at[pl.ds(chunk * EPAD + off, B)], srcb)
            pltpu.sync_copy(dst_hbm.at[pl.ds(off, B)], dstb)
            pltpu.async_copy(hs_hbm.at[srcb], rows, sem).wait()
            pltpu.sync_copy(rows, acc.at[dstb], add=True)
            return carry

        lax.fori_loop(0, ept // B, body, 0)
        plsc.subcore_barrier()
        pltpu.sync_copy(acc.at[pl.ds(s * RPT, RPT)],
                        s_out.at[pl.ds(chunk * ROWS + s * RPT, RPT)])


def _mm_body(x_ref, w_ref, deg_ref, hs_ref):
    deg = deg_ref[0, :, 0] + deg_ref[1, :, 0] + 1.0
    dinv = lax.rsqrt(deg)
    h = jnp.dot(x_ref[...], w_ref[...], preferred_element_type=jnp.float32)
    hsv = h * dinv[:, None]
    hs_ref[0] = hsv[:, :128]
    hs_ref[1] = hsv[:, 128:]


def _post_body(sa, sb, ha, hb, da, db, mskr, bg, wcat, bc,
               h1c_ref, h2c_ref, cs_ref):
    dinv_a = lax.rsqrt(da[0, :, 0] + da[1, :, 0] + 1.0)[:, None]
    dinv_b = lax.rsqrt(db[0, :, 0] + db[1, :, 0] + 1.0)[:, None]
    bgv = bg[...][None, :]
    mskv = mskr[0, 0][:, None]

    def gcn(sref, href, i0, dinv):
        sv = jnp.concatenate([sref[i0], sref[i0 + 1]], axis=1)
        hv = jnp.concatenate([href[i0], href[i0 + 1]], axis=1)
        return jnp.maximum(dinv * (sv + hv) + bgv, 0.0)

    h1t = gcn(sa, ha, 0, dinv_a)
    h1b = gcn(sb, hb, 0, dinv_b)
    h2t = gcn(sa, ha, 2, dinv_a)
    h2b = gcn(sb, hb, 2, dinv_b)
    z1 = jnp.concatenate([h1t, h1b], axis=1)
    z2 = jnp.concatenate([h2t, h2b], axis=1)
    w = wcat[...]
    bcv = bc[...][None, :]
    h1c = jnp.maximum(jnp.dot(z1, w, preferred_element_type=jnp.float32) + bcv, 0.0)
    h2c = jnp.maximum(jnp.dot(z2, w, preferred_element_type=jnp.float32) + bcv, 0.0)
    h1c_ref[...] = h1c
    h2c_ref[...] = h2c
    cs_ref[0, 0] = jnp.sum(h1c * mskv, axis=0)


def _disc_body(cs, mskr, wd, h1c, h2c, sb1, sb2, bd, out_ref):
    msum = jnp.sum(mskr[...])
    cvec = jnp.sum(cs[...], axis=(0, 1)) / msum
    cvec = 1.0 / (1.0 + jnp.exp(-cvec))
    wcv = jnp.dot(wd[...], cvec[:, None], preferred_element_type=jnp.float32)
    s1 = jnp.dot(h1c[...], wcv, preferred_element_type=jnp.float32)[:, 0]
    s2 = jnp.dot(h2c[...], wcv, preferred_element_type=jnp.float32)[:, 0]
    out_ref[pl.ds(0, N // 2)] = s1 + bd[0] + sb1[...]
    out_ref[pl.ds(N // 2, N // 2)] = s2 + bd[0] + sb2[...]


def kernel(seq1, seq2, edge_index, msk, samp_bias1, samp_bias2,
           W_gcn, b_gcn, W_cat, b_cat, W_disc, b_disc):
    src = edge_index[0]
    dst = edge_index[1]
    pad = EPAD - E
    pad_src = (jnp.arange(pad, dtype=jnp.int32) * 79) % N
    pad_dst = N + (jnp.arange(pad, dtype=jnp.int32) % DUMP)
    src_p = jnp.concatenate([src, pad_src])
    dst_p = jnp.concatenate([dst, pad_dst])
    offs = jnp.arange(4, dtype=jnp.int32) * N
    src4 = (src_p[None, :] + offs[:, None]).reshape(-1)

    ones16 = jnp.ones((B, 16), jnp.float32)
    zeros16 = jnp.zeros((RPT, 16), jnp.float32)
    zeros128 = jnp.zeros((RPT, 128), jnp.float32)

    deg2 = _deg_kernel(dst_p, ones16, zeros16)
    deg3 = deg2.reshape(NC, ROWS, 16)

    X2 = jnp.concatenate([seq1, seq2], axis=0)
    hs = pl.pallas_call(
        _mm_body,
        grid=(10,),
        in_specs=[
            pl.BlockSpec((2000, F), lambda i: (i, 0)),
            pl.BlockSpec((F, NH), lambda i: (0, 0)),
            pl.BlockSpec((NC, 2000, 16), lambda i: (0, i % 5, 0)),
        ],
        out_specs=pl.BlockSpec((2, 2000, 128), lambda i: (i // 5, i % 5, 0)),
        out_shape=jax.ShapeDtypeStruct((4, N, 128), jnp.float32),
    )(X2, W_gcn, deg3)

    s_flat = _scatter_kernel(hs.reshape(4 * N, 128), src4, dst_p, zeros128)
    S = s_flat.reshape(4, ROWS, 128)

    half = N // 2
    msk3 = msk.reshape(5, 1, 1000)
    h1c, h2c, cs = pl.pallas_call(
        _post_body,
        grid=(5,),
        in_specs=[
            pl.BlockSpec((4, 1000, 128), lambda i: (0, i, 0)),
            pl.BlockSpec((4, 1000, 128), lambda i: (0, i + 5, 0)),
            pl.BlockSpec((4, 1000, 128), lambda i: (0, i, 0)),
            pl.BlockSpec((4, 1000, 128), lambda i: (0, i + 5, 0)),
            pl.BlockSpec((NC, 1000, 16), lambda i: (0, i, 0)),
            pl.BlockSpec((NC, 1000, 16), lambda i: (0, i + 5, 0)),
            pl.BlockSpec((1, 1, 1000), lambda i: (i, 0, 0)),
            pl.BlockSpec((NH,), lambda i: (0,)),
            pl.BlockSpec((2 * NH, NH), lambda i: (0, 0)),
            pl.BlockSpec((NH,), lambda i: (0,)),
        ],
        out_specs=[
            pl.BlockSpec((1000, NH), lambda i: (i, 0)),
            pl.BlockSpec((1000, NH), lambda i: (i, 0)),
            pl.BlockSpec((1, 1, NH), lambda i: (i, 0, 0)),
        ],
        out_shape=[
            jax.ShapeDtypeStruct((half, NH), jnp.float32),
            jax.ShapeDtypeStruct((half, NH), jnp.float32),
            jax.ShapeDtypeStruct((5, 1, NH), jnp.float32),
        ],
    )(S, S, hs, hs, deg3, deg3, msk3, b_gcn, W_cat, b_cat)

    logits = pl.pallas_call(
        _disc_body,
        out_shape=jax.ShapeDtypeStruct((N,), jnp.float32),
    )(cs, msk, W_disc, h1c, h2c, samp_bias1, samp_bias2,
      b_disc.reshape(1))
    return logits

# --- scband reference (transcript-rebuilt; emitter-appended) ---
"""Pipeline reference for scband-dgis-86105504350629 (READ-ONLY COPY).

The authoritative reference and input builder live on the scoring server;
editing this copy changes nothing except your own understanding.
"""

import jax, jax.numpy as jnp
import numpy as np

N = 10000
E = 160000
N_IN = 256
N_H = 256

def setup_inputs(seed: int = 0):
    key = jax.random.key(seed)
    ks = jax.random.split(key, 12)
    inp = {}
    inp["seq1"] = jax.random.normal(ks[0], (N, N_IN), dtype=jnp.float32)
    inp["seq2"] = jax.random.normal(ks[1], (N, N_IN), dtype=jnp.float32)
    inp["edge_index"] = jax.random.randint(ks[2], (2, E), 0, N, dtype=jnp.int32)
    inp["msk"] = jnp.ones((N // 2,), dtype=jnp.float32)
    inp["samp_bias1"] = jax.random.normal(ks[3], (N // 2,), dtype=jnp.float32) * 0.05
    inp["samp_bias2"] = jax.random.normal(ks[4], (N // 2,), dtype=jnp.float32) * 0.05
    inp["W_gcn"] = jax.random.normal(ks[5], (N_IN, N_H), dtype=jnp.float32) * (1.0 / np.sqrt(N_IN))
    inp["b_gcn"] = jnp.zeros((N_H,), dtype=jnp.float32)
    inp["W_cat"] = jax.random.normal(ks[6], (2 * N_H, N_H), dtype=jnp.float32) * (1.0 / np.sqrt(2 * N_H))
    inp["b_cat"] = jnp.zeros((N_H,), dtype=jnp.float32)
    inp["W_disc"] = jax.random.normal(ks[7], (N_H, N_H), dtype=jnp.float32) * (1.0 / np.sqrt(N_H))
    inp["b_disc"] = jnp.zeros((), dtype=jnp.float32)
    return inp

def _gcn(x, edge_index, W, b):
    # PyG GCNConv: add self loops, symmetric normalization, x @ W, scatter-add to dst, + bias
    n = x.shape[0]
    src = edge_index[0]
    dst = edge_index[1]
    loop = jnp.arange(n, dtype=src.dtype)
    src = jnp.concatenate([src, loop])
    dst = jnp.concatenate([dst, loop])
    deg = jax.ops.segment_sum(jnp.ones(src.shape[0], dtype=x.dtype), dst, num_segments=n)
    dinv = jnp.where(deg > 0, jax.lax.rsqrt(jnp.maximum(deg, 1e-12)), 0.0)
    norm = dinv[src] * dinv[dst]
    h = x @ W
    msg = h[src] * norm[:, None]
    out = jax.ops.segment_sum(msg, dst, num_segments=n)
    return out + b

def _simcat(h, W_cat, b_cat):
    half = h.shape[0] // 2
    h1 = h[:half]
    h2 = h[half:]
    z = jnp.concatenate([h1, h2], axis=1)
    return jax.nn.relu(z @ W_cat + b_cat)

def reference(seq1, seq2, edge_index, msk, samp_bias1, samp_bias2, W_gcn, b_gcn, W_cat, b_cat, W_disc, b_disc):
    h_1 = jax.nn.relu(_gcn(seq1, edge_index, W_gcn, b_gcn))
    h_1 = _simcat(h_1, W_cat, b_cat)
    # AvgReadout with mask, then sigmoid
    c = jnp.sum(h_1 * msk[:, None], axis=0) / jnp.sum(msk)
    c = jax.nn.sigmoid(c)
    h_2 = jax.nn.relu(_gcn(seq2, edge_index, W_gcn, b_gcn))
    h_2 = _simcat(h_2, W_cat, b_cat)
    # Discriminator: bilinear f_k(h, c) = h @ W_disc @ c + b_disc
    wc = W_disc @ c
    sc_1 = h_1 @ wc + b_disc + samp_bias1
    sc_2 = h_2 @ wc + b_disc + samp_bias2
    logits = jnp.concatenate([sc_1, sc_2], axis=0)
    return logits

if __name__ == "__main__":
    import jax
    _d = setup_inputs()
    print(jax.jit(kernel)(*tuple(_d.values())))

</pallas_src>

<mosaic_0001>
#map = affine_map<(d0, d1) -> (0)>
#map1 = affine_map<(d0, d1) -> (0, 0)>
module attributes {stable_mosaic.version = 14 : i64} {
  func.func @_deg_kernel(%arg0: i32, %arg1: i32, %arg2: memref<163840xi32, #tpu.memory_space<hbm>>, %arg3: memref<128x16xf32, #tpu.memory_space<hbm>>, %arg4: memref<640x16xf32, #tpu.memory_space<hbm>>, %arg5: memref<20480x16xf32, #tpu.memory_space<hbm>>, %arg6: memref<128xi32, #tpu.memory_space<vmem>>, %arg7: memref<128x16xf32, #tpu.memory_space<vmem>>, %arg8: memref<10240x16xf32, #tpu.memory_space<vmem_shared>>) attributes {dimension_semantics = [#tpu.dimension_semantics<core_parallel>, #tpu.dimension_semantics<subcore_parallel>], iteration_bounds = array<i64: 2, 16>, scalar_prefetch = 0 : i64, scratch_operands = 3 : i64, tpu.core_type = #tpu.core_type<sc_vector_subcore>, window_params = [{transform_indices = #map}, {transform_indices = #map1}, {transform_indices = #map1}, {transform_indices = #map1}]} {
    %mul3A = arith.constant 16 : i32
    %mul3A_0 = arith.muli %arg0, %mul3A : i32
    %add3A = arith.addi %mul3A_0, %arg1 : i32
    %mul3A_1 = arith.constant 640 : i32
    %mul3A_2 = arith.muli %arg1, %mul3A_1 : i32
    "tpu.region"() ({
      %run_scoped3A = tpu.sem_alloc : memref<!tpu.dma_semaphore, #tpu.memory_space<semaphore_mem>>
      %dma_start3A = arith.constant 0 : i32
      %dma_start3A_18 = tpu.memref_slice %arg8[%mul3A_2, %dma_start3A] : memref<10240x16xf32, #tpu.memory_space<vmem_shared>> -> memref<640x16xf32, #tpu.memory_space<vmem_shared>>
      tpu.enqueue_dma source(%arg4 : memref<640x16xf32, #tpu.memory_space<hbm>>) target(%dma_start3A_18 : memref<640x16xf32, #tpu.memory_space<vmem_shared>>) target_semaphore(%run_scoped3A : memref<!tpu.dma_semaphore, #tpu.memory_space<semaphore_mem>>)
      %dma_wait3A = arith.constant 0 : i32
      %dma_wait3A_19 = tpu.memref_slice %arg8[%mul3A_2, %dma_wait3A] : memref<10240x16xf32, #tpu.memory_space<vmem_shared>> -> memref<640x16xf32, #tpu.memory_space<vmem_shared>>
      tpu.wait_dma2 semaphore(%run_scoped3A : memref<!tpu.dma_semaphore, #tpu.memory_space<semaphore_mem>>) src(%arg4 : memref<640x16xf32, #tpu.memory_space<hbm>>) dst(%dma_wait3A_19 : memref<640x16xf32, #tpu.memory_space<vmem_shared>>)
      tpu.yield
    }) : () -> ()
    "tpu.region"() ({
      %run_scoped3A = tpu.sem_alloc : memref<!tpu.dma_semaphore, #tpu.memory_space<semaphore_mem>>
      tpu.enqueue_dma source(%arg3 : memref<128x16xf32, #tpu.memory_space<hbm>>) target(%arg7 : memref<128x16xf32, #tpu.memory_space<vmem>>) target_semaphore(%run_scoped3A : memref<!tpu.dma_semaphore, #tpu.memory_space<semaphore_mem>>)
      tpu.wait_dma2 semaphore(%run_scoped3A : memref<!tpu.dma_semaphore, #tpu.memory_space<semaphore_mem>>) src(%arg3 : memref<128x16xf32, #tpu.memory_space<hbm>>) dst(%arg7 : memref<128x16xf32, #tpu.memory_space<vmem>>)
      tpu.yield
    }) : () -> ()
    %barrier3A = arith.constant 0 : index
    tpu.barrier barrier_id(%barrier3A)
    %mul3A_3 = arith.constant 5120 : i32
    %mul3A_4 = arith.muli %add3A, %mul3A_3 : i32
    %scan3A = arith.constant 0 : i32
    %scan3A_5 = arith.constant 0 : i32
    %scan3A_6 = arith.constant 40 : i32
    %scan3A_7 = arith.addi %scan3A_5, %scan3A_6 : i32
    %scan3A_8 = arith.constant 1 : i32
    scf.for %scan3A_18 = %scan3A_5 to %scan3A_7 step %scan3A_8  : i32 {
      %mul3A_19 = arith.constant 128 : i32
      %mul3A_20 = arith.muli %scan3A_18, %mul3A_19 : i32
      %add3A_21 = arith.addi %mul3A_4, %mul3A_20 : i32
      "tpu.region"() ({
        %run_scoped3A = tpu.sem_alloc : memref<!tpu.dma_semaphore, #tpu.memory_space<semaphore_mem>>
        %dma_start3A = tpu.memref_slice %arg2[%add3A_21] : memref<163840xi32, #tpu.memory_space<hbm>> -> memref<128xi32, #tpu.memory_space<hbm>>
        %dma_start3A_22 = tpu.memref_slice %arg2[%add3A_21] : memref<163840xi32, #tpu.memory_space<hbm>> -> memref<128xi32, #tpu.memory_space<hbm>>
        tpu.enqueue_dma source(%dma_start3A_22 : memref<128xi32, #tpu.memory_space<hbm>>) target(%arg6 : memref<128xi32, #tpu.memory_space<vmem>>) target_semaphore(%run_scoped3A : memref<!tpu.dma_semaphore, #tpu.memory_space<semaphore_mem>>)
        %dma_wait3A = tpu.memref_slice %arg2[%add3A_21] : memref<163840xi32, #tpu.memory_space<hbm>> -> memref<128xi32, #tpu.memory_space<hbm>>
        %dma_wait3A_23 = tpu.memref_slice %arg2[%add3A_21] : memref<163840xi32, #tpu.memory_space<hbm>> -> memref<128xi32, #tpu.memory_space<hbm>>
        tpu.wait_dma2 semaphore(%run_scoped3A : memref<!tpu.dma_semaphore, #tpu.memory_space<semaphore_mem>>) src(%dma_wait3A_23 : memref<128xi32, #tpu.memory_space<hbm>>) dst(%arg6 : memref<128xi32, #tpu.memory_space<vmem>>)
        tpu.yield
      }) : () -> ()
      "tpu.region"() ({
        %run_scoped3A = tpu.sem_alloc : memref<!tpu.dma_semaphore, #tpu.memory_space<semaphore_mem>>
        %dma_start3A = arith.constant 0 : i32
        %dma_start3A_22 = arith.constant 0 : i32
        %dma_start3A_23 = tpu.memref_slice %arg8[%dma_start3A, %dma_start3A_22] : memref<10240x16xf32, #tpu.memory_space<vmem_shared>> -> memref<10240x16xf32, #tpu.memory_space<vmem_shared>>
        tpu.enqueue_indirect_dma source(%arg7 : memref<128x16xf32, #tpu.memory_space<vmem>>) target(%dma_start3A_23 : memref<10240x16xf32, #tpu.memory_space<vmem_shared>>) offsets(%arg6 : memref<128xi32, #tpu.memory_space<vmem>>) semaphore(%run_scoped3A : memref<!tpu.dma_semaphore, #tpu.memory_space<semaphore_mem>>) {add = true}
        %dma_wait3A = arith.constant 0 : i32
        %dma_wait3A_24 = arith.constant 0 : i32
        %dma_wait3A_25 = tpu.memref_slice %arg8[%dma_wait3A, %dma_wait3A_24] : memref<10240x16xf32, #tpu.memory_space<vmem_shared>> -> memref<10240x16xf32, #tpu.memory_space<vmem_shared>>
        tpu.wait_indirect_dma semaphore(%run_scoped3A : memref<!tpu.dma_semaphore, #tpu.memory_space<semaphore_mem>>) src(%arg7 : memref<128x16xf32, #tpu.memory_space<vmem>>) dst(%dma_wait3A_25 : memref<10240x16xf32, #tpu.memory_space<vmem_shared>>)
        tpu.yield
      }) : () -> ()
    }
    %scan3A_9 = arith.constant 40 : i32
    %barrier3A_10 = arith.constant 0 : index
    tpu.barrier barrier_id(%barrier3A_10)
    %mul3A_11 = arith.constant 640 : i32
    %mul3A_12 = arith.muli %arg1, %mul3A_11 : i32
    %mul3A_13 = arith.constant 10240 : i32
    %mul3A_14 = arith.muli %arg0, %mul3A_13 : i32
    %mul3A_15 = arith.constant 640 : i32
    %mul3A_16 = arith.muli %arg1, %mul3A_15 : i32
    %add3A_17 = arith.addi %mul3A_14, %mul3A_16 : i32
    "tpu.region"() ({
      %run_scoped3A = tpu.sem_alloc : memref<!tpu.dma_semaphore, #tpu.memory_space<semaphore_mem>>
      %dma_start3A = arith.constant 0 : i32
      %dma_start3A_18 = tpu.memref_slice %arg5[%add3A_17, %dma_start3A] : memref<20480x16xf32, #tpu.memory_space<hbm>> -> memref<640x16xf32, #tpu.memory_space<hbm>>
      %dma_start3A_19 = arith.constant 0 : i32
      %dma_start3A_20 = tpu.memref_slice %arg8[%mul3A_12, %dma_start3A_19] : memref<10240x16xf32, #tpu.memory_space<vmem_shared>> -> memref<640x16xf32, #tpu.memory_space<vmem_shared>>
      tpu.enqueue_dma source(%dma_start3A_20 : memref<640x16xf32, #tpu.memory_space<vmem_shared>>) target(%dma_start3A_18 : memref<640x16xf32, #tpu.memory_space<hbm>>) target_semaphore(%run_scoped3A : memref<!tpu.dma_semaphore, #tpu.memory_space<semaphore_mem>>)
      %dma_wait3A = arith.constant 0 : i32
      %dma_wait3A_21 = tpu.memref_slice %arg5[%add3A_17, %dma_wait3A] : memref<20480x16xf32, #tpu.memory_space<hbm>> -> memref<640x16xf32, #tpu.memory_space<hbm>>
      %dma_wait3A_22 = arith.constant 0 : i32
      %dma_wait3A_23 = tpu.memref_slice %arg8[%mul3A_12, %dma_wait3A_22] : memref<10240x16xf32, #tpu.memory_space<vmem_shared>> -> memref<640x16xf32, #tpu.memory_space<vmem_shared>>
      tpu.wait_dma2 semaphore(%run_scoped3A : memref<!tpu.dma_semaphore, #tpu.memory_space<semaphore_mem>>) src(%dma_wait3A_23 : memref<640x16xf32, #tpu.memory_space<vmem_shared>>) dst(%dma_wait3A_21 : memref<640x16xf32, #tpu.memory_space<hbm>>)
      tpu.yield
    }) : () -> ()
    return
  }
}

#map = affine_map<(d0, d1) -> (0, 0)>
#map1 = affine_map<(d0, d1) -> (0)>
module attributes {stable_mosaic.version = 14 : i64} {
  func.func @_scatter_kernel(%arg0: i32, %arg1: i32, %arg2: memref<40000x128xf32, #tpu.memory_space<hbm>>, %arg3: memref<655360xi32, #tpu.memory_space<hbm>>, %arg4: memref<163840xi32, #tpu.memory_space<hbm>>, %arg5: memref<640x128xf32, #tpu.memory_space<hbm>>, %arg6: memref<40960x128xf32, #tpu.memory_space<hbm>>, %arg7: memref<128xi32, #tpu.memory_space<vmem>>, %arg8: memref<128xi32, #tpu.memory_space<vmem>>, %arg9: memref<128x128xf32, #tpu.memory_space<vmem>>, %arg10: memref<10240x128xf32, #tpu.memory_space<vmem_shared>>, %arg11: memref<!tpu.dma_semaphore, #tpu.memory_space<semaphore_mem>>) attributes {dimension_semantics = [#tpu.dimension_semantics<core_parallel>, #tpu.dimension_semantics<subcore_parallel>], iteration_bounds = array<i64: 2, 16>, scalar_prefetch = 0 : i64, scratch_operands = 5 : i64, tpu.core_type = #tpu.core_type<sc_vector_subcore>, window_params = [{transform_indices = #map}, {transform_indices = #map1}, {transform_indices = #map1}, {transform_indices = #map}, {transform_indices = #map}]} {
    %mul3A = arith.constant 10240 : i32
    %mul3A_0 = arith.muli %arg1, %mul3A : i32
    %mul3A_1 = arith.constant 2 : i32
    %mul3A_2 = arith.muli %arg0, %mul3A_1 : i32
    %add3A = arith.constant 0 : i32
    %add3A_3 = arith.addi %mul3A_2, %add3A : i32
    %mul3A_4 = arith.constant 640 : i32
    %mul3A_5 = arith.muli %arg1, %mul3A_4 : i32
    "tpu.region"() ({
      %run_scoped3A = tpu.sem_alloc : memref<!tpu.dma_semaphore, #tpu.memory_space<semaphore_mem>>
      %dma_start3A = arith.constant 0 : i32
      %dma_start3A_40 = tpu.memref_slice %arg10[%mul3A_5, %dma_start3A] : memref<10240x128xf32, #tpu.memory_space<vmem_shared>> -> memref<640x128xf32, #tpu.memory_space<vmem_shared>>
      tpu.enqueue_dma source(%arg5 : memref<640x128xf32, #tpu.memory_space<hbm>>) target(%dma_start3A_40 : memref<640x128xf32, #tpu.memory_space<vmem_shared>>) target_semaphore(%run_scoped3A : memref<!tpu.dma_semaphore, #tpu.memory_space<semaphore_mem>>)
      %dma_wait3A = arith.constant 0 : i32
      %dma_wait3A_41 = tpu.memref_slice %arg10[%mul3A_5, %dma_wait3A] : memref<10240x128xf32, #tpu.memory_space<vmem_shared>> -> memref<640x128xf32, #tpu.memory_space<vmem_shared>>
      tpu.wait_dma2 semaphore(%run_scoped3A : memref<!tpu.dma_semaphore, #tpu.memory_space<semaphore_mem>>) src(%arg5 : memref<640x128xf32, #tpu.memory_space<hbm>>) dst(%dma_wait3A_41 : memref<640x128xf32, #tpu.memory_space<vmem_shared>>)
      tpu.yield
    }) : () -> ()
    %barrier3A = arith.constant 0 : index
    tpu.barrier barrier_id(%barrier3A)
    %scan3A = arith.constant 0 : i32
    %scan3A_6 = arith.constant 0 : i32
    %scan3A_7 = arith.constant 80 : i32
    %scan3A_8 = arith.addi %scan3A_6, %scan3A_7 : i32
    %scan3A_9 = arith.constant 1 : i32
    scf.for %scan3A_40 = %scan3A_6 to %scan3A_8 step %scan3A_9  : i32 {
      %mul3A_41 = arith.constant 128 : i32
      %mul3A_42 = arith.muli %scan3A_40, %mul3A_41 : i32
      %add3A_43 = arith.addi %mul3A_0, %mul3A_42 : i32
      %mul3A_44 = arith.constant 163840 : i32
      %mul3A_45 = arith.muli %add3A_3, %mul3A_44 : i32
      %add3A_46 = arith.addi %mul3A_45, %add3A_43 : i32
      "tpu.region"() ({
        %run_scoped3A = tpu.sem_alloc : memref<!tpu.dma_semaphore, #tpu.memory_space<semaphore_mem>>
        %dma_start3A_51 = tpu.memref_slice %arg3[%add3A_46] : memref<655360xi32, #tpu.memory_space<hbm>> -> memref<128xi32, #tpu.memory_space<hbm>>
        %dma_start3A_52 = tpu.memref_slice %arg3[%add3A_46] : memref<655360xi32, #tpu.memory_space<hbm>> -> memref<128xi32, #tpu.memory_space<hbm>>
        tpu.enqueue_dma source(%dma_start3A_52 : memref<128xi32, #tpu.memory_space<hbm>>) target(%arg7 : memref<128xi32, #tpu.memory_space<vmem>>) target_semaphore(%run_scoped3A : memref<!tpu.dma_semaphore, #tpu.memory_space<semaphore_mem>>)
        %dma_wait3A_53 = tpu.memref_slice %arg3[%add3A_46] : memref<655360xi32, #tpu.memory_space<hbm>> -> memref<128xi32, #tpu.memory_space<hbm>>
        %dma_wait3A_54 = tpu.memref_slice %arg3[%add3A_46] : memref<655360xi32, #tpu.memory_space<hbm>> -> memref<128xi32, #tpu.memory_space<hbm>>
        tpu.wait_dma2 semaphore(%run_scoped3A : memref<!tpu.dma_semaphore, #tpu.memory_space<semaphore_mem>>) src(%dma_wait3A_54 : memref<128xi32, #tpu.memory_space<hbm>>) dst(%arg7 : memref<128xi32, #tpu.memory_space<vmem>>)
        tpu.yield
      }) : () -> ()
      "tpu.region"() ({
        %run_scoped3A = tpu.sem_alloc : memref<!tpu.dma_semaphore, #tpu.memory_space<semaphore_mem>>
        %dma_start3A_51 = tpu.memref_slice %arg4[%add3A_43] : memref<163840xi32, #tpu.memory_space<hbm>> -> memref<128xi32, #tpu.memory_space<hbm>>
        %dma_start3A_52 = tpu.memref_slice %arg4[%add3A_43] : memref<163840xi32, #tpu.memory_space<hbm>> -> memref<128xi32, #tpu.memory_space<hbm>>
        tpu.enqueue_dma source(%dma_start3A_52 : memref<128xi32, #tpu.memory_space<hbm>>) target(%arg8 : memref<128xi32, #tpu.memory_space<vmem>>) target_semaphore(%run_scoped3A : memref<!tpu.dma_semaphore, #tpu.memory_space<semaphore_mem>>)
        %dma_wait3A_53 = tpu.memref_slice %arg4[%add3A_43] : memref<163840xi32, #tpu.memory_space<hbm>> -> memref<128xi32, #tpu.memory_space<hbm>>
        %dma_wait3A_54 = tpu.memref_slice %arg4[%add3A_43] : memref<163840xi32, #tpu.memory_space<hbm>> -> memref<128xi32, #tpu.memory_space<hbm>>
        tpu.wait_dma2 semaphore(%run_scoped3A : memref<!tpu.dma_semaphore, #tpu.memory_space<semaphore_mem>>) src(%dma_wait3A_54 : memref<128xi32, #tpu.memory_space<hbm>>) dst(%arg8 : memref<128xi32, #tpu.memory_space<vmem>>)
        tpu.yield
      }) : () -> ()
      %dma_start3A = arith.constant 0 : i32
      %dma_start3A_47 = arith.constant 0 : i32
      %dma_start3A_48 = tpu.memref_slice %arg2[%dma_start3A, %dma_start3A_47] : memref<40000x128xf32, #tpu.memory_space<hbm>> -> memref<40000x128xf32, #tpu.memory_space<hbm>>
      tpu.enqueue_indirect_dma source(%dma_start3A_48 : memref<40000x128xf32, #tpu.memory_space<hbm>>) target(%arg9 : memref<128x128xf32, #tpu.memory_space<vmem>>) offsets(%arg7 : memref<128xi32, #tpu.memory_space<vmem>>) semaphore(%arg11 : memref<!tpu.dma_semaphore, #tpu.memory_space<semaphore_mem>>)
      %dma_wait3A = arith.constant 0 : i32
      %dma_wait3A_49 = arith.constant 0 : i32
      %dma_wait3A_50 = tpu.memref_slice %arg2[%dma_wait3A, %dma_wait3A_49] : memref<40000x128xf32, #tpu.memory_space<hbm>> -> memref<40000x128xf32, #tpu.memory_space<hbm>>
      tpu.wait_indirect_dma semaphore(%arg11 : memref<!tpu.dma_semaphore, #tpu.memory_space<semaphore_mem>>) src(%dma_wait3A_50 : memref<40000x128xf32, #tpu.memory_space<hbm>>) dst(%arg9 : memref<128x128xf32, #tpu.memory_space<vmem>>)
      "tpu.region"() ({
        %run_scoped3A = tpu.sem_alloc : memref<!tpu.dma_semaphore, #tpu.memory_space<semaphore_mem>>
        %dma_start3A_51 = arith.constant 0 : i32
        %dma_start3A_52 = arith.constant 0 : i32
        %dma_start3A_53 = tpu.memref_slice %arg10[%dma_start3A_51, %dma_start3A_52] : memref<10240x128xf32, #tpu.memory_space<vmem_shared>> -> memref<10240x128xf32, #tpu.memory_space<vmem_shared>>
        tpu.enqueue_indirect_dma source(%arg9 : memref<128x128xf32, #tpu.memory_space<vmem>>) target(%dma_start3A_53 : memref<10240x128xf32, #tpu.memory_space<vmem_shared>>) offsets(%arg8 : memref<128xi32, #tpu.memory_space<vmem>>) semaphore(%run_scoped3A : memref<!tpu.dma_semaphore, #tpu.memory_space<semaphore_mem>>) {add = true}
        %dma_wait3A_54 = arith.constant 0 : i32
        %dma_wait3A_55 = arith.constant 0 : i32
        %dma_wait3A_56 = tpu.memref_slice %arg10[%dma_wait3A_54, %dma_wait3A_55] : memref<10240x128xf32, #tpu.memory_space<vmem_shared>> -> memref<10240x128xf32, #tpu.memory_space<vmem_shared>>
        tpu.wait_indirect_dma semaphore(%run_scoped3A : memref<!tpu.dma_semaphore, #tpu.memory_space<semaphore_mem>>) src(%arg9 : memref<128x128xf32, #tpu.memory_space<vmem>>) dst(%dma_wait3A_56 : memref<10240x128xf32, #tpu.memory_space<vmem_shared>>)
        tpu.yield
      }) : () -> ()
    }
    %scan3A_10 = arith.constant 80 : i32
    %barrier3A_11 = arith.constant 0 : index
    tpu.barrier barrier_id(%barrier3A_11)
    %mul3A_12 = arith.constant 640 : i32
    %mul3A_13 = arith.muli %arg1, %mul3A_12 : i32
    %mul3A_14 = arith.constant 10240 : i32
    %mul3A_15 = arith.muli %add3A_3, %mul3A_14 : i32
    %mul3A_16 = arith.constant 640 : i32
    %mul3A_17 = arith.muli %arg1, %mul3A_16 : i32
    %add3A_18 = arith.addi %mul3A_15, %mul3A_17 : i32
    "tpu.region"() ({
      %run_scoped3A = tpu.sem_alloc : memref<!tpu.dma_semaphore, #tpu.memory_space<semaphore_mem>>
      %dma_start3A = arith.constant 0 : i32
      %dma_start3A_40 = tpu.memref_slice %arg6[%add3A_18, %dma_start3A] : memref<40960x128xf32, #tpu.memory_space<hbm>> -> memref<640x128xf32, #tpu.memory_space<hbm>>
      %dma_start3A_41 = arith.constant 0 : i32
      %dma_start3A_42 = tpu.memref_slice %arg10[%mul3A_13, %dma_start3A_41] : memref<10240x128xf32, #tpu.memory_space<vmem_shared>> -> memref<640x128xf32, #tpu.memory_space<vmem_shared>>
      tpu.enqueue_dma source(%dma_start3A_42 : memref<640x128xf32, #tpu.memory_space<vmem_shared>>) target(%dma_start3A_40 : memref<640x128xf32, #tpu.memory_space<hbm>>) target_semaphore(%run_scoped3A : memref<!tpu.dma_semaphore, #tpu.memory_space<semaphore_mem>>)
      %dma_wait3A = arith.constant 0 : i32
      %dma_wait3A_43 = tpu.memref_slice %arg6[%add3A_18, %dma_wait3A] : memref<40960x128xf32, #tpu.memory_space<hbm>> -> memref<640x128xf32, #tpu.memory_space<hbm>>
      %dma_wait3A_44 = arith.constant 0 : i32
      %dma_wait3A_45 = tpu.memref_slice %arg10[%mul3A_13, %dma_wait3A_44] : memref<10240x128xf32, #tpu.memory_space<vmem_shared>> -> memref<640x128xf32, #tpu.memory_space<vmem_shared>>
      tpu.wait_dma2 semaphore(%run_scoped3A : memref<!tpu.dma_semaphore, #tpu.memory_space<semaphore_mem>>) src(%dma_wait3A_45 : memref<640x128xf32, #tpu.memory_space<vmem_shared>>) dst(%dma_wait3A_43 : memref<640x128xf32, #tpu.memory_space<hbm>>)
      tpu.yield
    }) : () -> ()
    %mul3A_19 = arith.constant 2 : i32
    %mul3A_20 = arith.muli %arg0, %mul3A_19 : i32
    %add3A_21 = arith.constant 1 : i32
    %add3A_22 = arith.addi %mul3A_20, %add3A_21 : i32
    %mul3A_23 = arith.constant 640 : i32
    %mul3A_24 = arith.muli %arg1, %mul3A_23 : i32
    "tpu.region"() ({
      %run_scoped3A = tpu.sem_alloc : memref<!tpu.dma_semaphore, #tpu.memory_space<semaphore_mem>>
      %dma_start3A = arith.constant 0 : i32
      %dma_start3A_40 = tpu.memref_slice %arg10[%mul3A_24, %dma_start3A] : memref<10240x128xf32, #tpu.memory_space<vmem_shared>> -> memref<640x128xf32, #tpu.memory_space<vmem_shared>>
      tpu.enqueue_dma source(%arg5 : memref<640x128xf32, #tpu.memory_space<hbm>>) target(%dma_start3A_40 : memref<640x128xf32, #tpu.memory_space<vmem_shared>>) target_semaphore(%run_scoped3A : memref<!tpu.dma_semaphore, #tpu.memory_space<semaphore_mem>>)
      %dma_wait3A = arith.constant 0 : i32
      %dma_wait3A_41 = tpu.memref_slice %arg10[%mul3A_24, %dma_wait3A] : memref<10240x128xf32, #tpu.memory_space<vmem_shared>> -> memref<640x128xf32, #tpu.memory_space<vmem_shared>>
      tpu.wait_dma2 semaphore(%run_scoped3A : memref<!tpu.dma_semaphore, #tpu.memory_space<semaphore_mem>>) src(%arg5 : memref<640x128xf32, #tpu.memory_space<hbm>>) dst(%dma_wait3A_41 : memref<640x128xf32, #tpu.memory_space<vmem_shared>>)
      tpu.yield
    }) : () -> ()
    %barrier3A_25 = arith.constant 0 : index
    tpu.barrier barrier_id(%barrier3A_25)
    %scan3A_26 = arith.constant 0 : i32
    %scan3A_27 = arith.constant 0 : i32
    %scan3A_28 = arith.constant 80 : i32
    %scan3A_29 = arith.addi %scan3A_27, %scan3A_28 : i32
    %scan3A_30 = arith.constant 1 : i32
    scf.for %scan3A_40 = %scan3A_27 to %scan3A_29 step %scan3A_30  : i32 {
      %mul3A_41 = arith.constant 128 : i32
      %mul3A_42 = arith.muli %scan3A_40, %mul3A_41 : i32
      %add3A_43 = arith.addi %mul3A_0, %mul3A_42 : i32
      %mul3A_44 = arith.constant 163840 : i32
      %mul3A_45 = arith.muli %add3A_22, %mul3A_44 : i32
      %add3A_46 = arith.addi %mul3A_45, %add3A_43 : i32
      "tpu.region"() ({
        %run_scoped3A = tpu.sem_alloc : memref<!tpu.dma_semaphore, #tpu.memory_space<semaphore_mem>>
        %dma_start3A_51 = tpu.memref_slice %arg3[%add3A_46] : memref<655360xi32, #tpu.memory_space<hbm>> -> memref<128xi32, #tpu.memory_space<hbm>>
        %dma_start3A_52 = tpu.memref_slice %arg3[%add3A_46] : memref<655360xi32, #tpu.memory_space<hbm>> -> memref<128xi32, #tpu.memory_space<hbm>>
        tpu.enqueue_dma source(%dma_start3A_52 : memref<128xi32, #tpu.memory_space<hbm>>) target(%arg7 : memref<128xi32, #tpu.memory_space<vmem>>) target_semaphore(%run_scoped3A : memref<!tpu.dma_semaphore, #tpu.memory_space<semaphore_mem>>)
        %dma_wait3A_53 = tpu.memref_slice %arg3[%add3A_46] : memref<655360xi32, #tpu.memory_space<hbm>> -> memref<128xi32, #tpu.memory_space<hbm>>
        %dma_wait3A_54 = tpu.memref_slice %arg3[%add3A_46] : memref<655360xi32, #tpu.memory_space<hbm>> -> memref<128xi32, #tpu.memory_space<hbm>>
        tpu.wait_dma2 semaphore(%run_scoped3A : memref<!tpu.dma_semaphore, #tpu.memory_space<semaphore_mem>>) src(%dma_wait3A_54 : memref<128xi32, #tpu.memory_space<hbm>>) dst(%arg7 : memref<128xi32, #tpu.memory_space<vmem>>)
        tpu.yield
      }) : () -> ()
      "tpu.region"() ({
        %run_scoped3A = tpu.sem_alloc : memref<!tpu.dma_semaphore, #tpu.memory_space<semaphore_mem>>
        %dma_start3A_51 = tpu.memref_slice %arg4[%add3A_43] : memref<163840xi32, #tpu.memory_space<hbm>> -> memref<128xi32, #tpu.memory_space<hbm>>
        %dma_start3A_52 = tpu.memref_slice %arg4[%add3A_43] : memref<163840xi32, #tpu.memory_space<hbm>> -> memref<128xi32, #tpu.memory_space<hbm>>
        tpu.enqueue_dma source(%dma_start3A_52 : memref<128xi32, #tpu.memory_space<hbm>>) target(%arg8 : memref<128xi32, #tpu.memory_space<vmem>>) target_semaphore(%run_scoped3A : memref<!tpu.dma_semaphore, #tpu.memory_space<semaphore_mem>>)
        %dma_wait3A_53 = tpu.memref_slice %arg4[%add3A_43] : memref<163840xi32, #tpu.memory_space<hbm>> -> memref<128xi32, #tpu.memory_space<hbm>>
        %dma_wait3A_54 = tpu.memref_slice %arg4[%add3A_43] : memref<163840xi32, #tpu.memory_space<hbm>> -> memref<128xi32, #tpu.memory_space<hbm>>
        tpu.wait_dma2 semaphore(%run_scoped3A : memref<!tpu.dma_semaphore, #tpu.memory_space<semaphore_mem>>) src(%dma_wait3A_54 : memref<128xi32, #tpu.memory_space<hbm>>) dst(%arg8 : memref<128xi32, #tpu.memory_space<vmem>>)
        tpu.yield
      }) : () -> ()
      %dma_start3A = arith.constant 0 : i32
      %dma_start3A_47 = arith.constant 0 : i32
      %dma_start3A_48 = tpu.memref_slice %arg2[%dma_start3A, %dma_start3A_47] : memref<40000x128xf32, #tpu.memory_space<hbm>> -> memref<40000x128xf32, #tpu.memory_space<hbm>>
      tpu.enqueue_indirect_dma source(%dma_start3A_48 : memref<40000x128xf32, #tpu.memory_space<hbm>>) target(%arg9 : memref<128x128xf32, #tpu.memory_space<vmem>>) offsets(%arg7 : memref<128xi32, #tpu.memory_space<vmem>>) semaphore(%arg11 : memref<!tpu.dma_semaphore, #tpu.memory_space<semaphore_mem>>)
      %dma_wait3A = arith.constant 0 : i32
      %dma_wait3A_49 = arith.constant 0 : i32
      %dma_wait3A_50 = tpu.memref_slice %arg2[%dma_wait3A, %dma_wait3A_49] : memref<40000x128xf32, #tpu.memory_space<hbm>> -> memref<40000x128xf32, #tpu.memory_space<hbm>>
      tpu.wait_indirect_dma semaphore(%arg11 : memref<!tpu.dma_semaphore, #tpu.memory_space<semaphore_mem>>) src(%dma_wait3A_50 : memref<40000x128xf32, #tpu.memory_space<hbm>>) dst(%arg9 : memref<128x128xf32, #tpu.memory_space<vmem>>)
      "tpu.region"() ({
        %run_scoped3A = tpu.sem_alloc : memref<!tpu.dma_semaphore, #tpu.memory_space<semaphore_mem>>
        %dma_start3A_51 = arith.constant 0 : i32
        %dma_start3A_52 = arith.constant 0 : i32
        %dma_start3A_53 = tpu.memref_slice %arg10[%dma_start3A_51, %dma_start3A_52] : memref<10240x128xf32, #tpu.memory_space<vmem_shared>> -> memref<10240x128xf32, #tpu.memory_space<vmem_shared>>
        tpu.enqueue_indirect_dma source(%arg9 : memref<128x128xf32, #tpu.memory_space<vmem>>) target(%dma_start3A_53 : memref<10240x128xf32, #tpu.memory_space<vmem_shared>>) offsets(%arg8 : memref<128xi32, #tpu.memory_space<vmem>>) semaphore(%run_scoped3A : memref<!tpu.dma_semaphore, #tpu.memory_space<semaphore_mem>>) {add = true}
        %dma_wait3A_54 = arith.constant 0 : i32
        %dma_wait3A_55 = arith.constant 0 : i32
        %dma_wait3A_56 = tpu.memref_slice %arg10[%dma_wait3A_54, %dma_wait3A_55] : memref<10240x128xf32, #tpu.memory_space<vmem_shared>> -> memref<10240x128xf32, #tpu.memory_space<vmem_shared>>
        tpu.wait_indirect_dma semaphore(%run_scoped3A : memref<!tpu.dma_semaphore, #tpu.memory_space<semaphore_mem>>) src(%arg9 : memref<128x128xf32, #tpu.memory_space<vmem>>) dst(%dma_wait3A_56 : memref<10240x128xf32, #tpu.memory_space<vmem_shared>>)
        tpu.yield
      }) : () -> ()
    }
    %scan3A_31 = arith.constant 80 : i32
    %barrier3A_32 = arith.constant 0 : index
    tpu.barrier barrier_id(%barrier3A_32)
    %mul3A_33 = arith.constant 640 : i32
    %mul3A_34 = arith.muli %arg1, %mul3A_33 : i32
    %mul3A_35 = arith.constant 10240 : i32
    %mul3A_36 = arith.muli %add3A_22, %mul3A_35 : i32
    %mul3A_37 = arith.constant 640 : i32
    %mul3A_38 = arith.muli %arg1, %mul3A_37 : i32
    %add3A_39 = arith.addi %mul3A_36, %mul3A_38 : i32
    "tpu.region"() ({
      %run_scoped3A = tpu.sem_alloc : memref<!tpu.dma_semaphore, #tpu.memory_space<semaphore_mem>>
      %dma_start3A = arith.constant 0 : i32
      %dma_start3A_40 = tpu.memref_slice %arg6[%add3A_39, %dma_start3A] : memref<40960x128xf32, #tpu.memory_space<hbm>> -> memref<640x128xf32, #tpu.memory_space<hbm>>
      %dma_start3A_41 = arith.constant 0 : i32
      %dma_start3A_42 = tpu.memref_slice %arg10[%mul3A_34, %dma_start3A_41] : memref<10240x128xf32, #tpu.memory_space<vmem_shared>> -> memref<640x128xf32, #tpu.memory_space<vmem_shared>>
      tpu.enqueue_dma source(%dma_start3A_42 : memref<640x128xf32, #tpu.memory_space<vmem_shared>>) target(%dma_start3A_40 : memref<640x128xf32, #tpu.memory_space<hbm>>) target_semaphore(%run_scoped3A : memref<!tpu.dma_semaphore, #tpu.memory_space<semaphore_mem>>)
      %dma_wait3A = arith.constant 0 : i32
      %dma_wait3A_43 = tpu.memref_slice %arg6[%add3A_39, %dma_wait3A] : memref<40960x128xf32, #tpu.memory_space<hbm>> -> memref<640x128xf32, #tpu.memory_space<hbm>>
      %dma_wait3A_44 = arith.constant 0 : i32
      %dma_wait3A_45 = tpu.memref_slice %arg10[%mul3A_34, %dma_wait3A_44] : memref<10240x128xf32, #tpu.memory_space<vmem_shared>> -> memref<640x128xf32, #tpu.memory_space<vmem_shared>>
      tpu.wait_dma2 semaphore(%run_scoped3A : memref<!tpu.dma_semaphore, #tpu.memory_space<semaphore_mem>>) src(%dma_wait3A_45 : memref<640x128xf32, #tpu.memory_space<vmem_shared>>) dst(%dma_wait3A_43 : memref<640x128xf32, #tpu.memory_space<hbm>>)
      tpu.yield
    }) : () -> ()
    return
  }
}

module attributes {stable_mosaic.version = 14 : i64} {
  func.func @_mm_body(%arg0: i32, %arg1: memref<2000x256xf32, #tpu.memory_space<vmem>>, %arg2: memref<256x256xf32, #tpu.memory_space<vmem>>, %arg3: memref<2x2000x16xf32, #tpu.memory_space<vmem>>, %arg4: memref<2x2000x128xf32, #tpu.memory_space<vmem>>) attributes {dimension_semantics = [#tpu.dimension_semantics<arbitrary>], iteration_bounds = array<i64: 10>, scalar_prefetch = 0 : i64, scratch_operands = 0 : i64, tpu.core_type = #tpu.core_type<tc>, window_params = [{transform_indices = @transform_0, window_bounds = array<i64: 2000, 256>}, {pipeline_mode = #tpu.pipeline_mode<synchronous>, transform_indices = @transform_1, window_bounds = array<i64: 256, 256>}, {transform_indices = @transform_2, window_bounds = array<i64: 2, 2000, 16>}, {transform_indices = @transform_3, window_bounds = array<i64: 2, 2000, 128>}]} {
    %get3A = arith.constant 0 : index
    %get3A_0 = arith.constant 0 : index
    %get3A_1 = arith.constant 0 : index
    %get3A_2 = vector.load %arg3[%get3A, %get3A_0, %get3A_1] : memref<2x2000x16xf32, #tpu.memory_space<vmem>>, vector<1x2000x1xf32>
    %get3A_3 = vector.shape_cast %get3A_2 : vector<1x2000x1xf32> to vector<2000xf32>
    %get3A_4 = arith.constant 1 : index
    %get3A_5 = arith.constant 0 : index
    %get3A_6 = arith.constant 0 : index
    %get3A_7 = vector.load %arg3[%get3A_4, %get3A_5, %get3A_6] : memref<2x2000x16xf32, #tpu.memory_space<vmem>>, vector<1x2000x1xf32>
    %get3A_8 = vector.shape_cast %get3A_7 : vector<1x2000x1xf32> to vector<2000xf32>
    %add3A = arith.addf %get3A_3, %get3A_8 : vector<2000xf32>
    %add3A_9 = arith.constant 1.000000e+00 : f32
    %add3A_10 = vector.broadcast %add3A_9 : f32 to vector<2000xf32>
    %add3A_11 = arith.addf %add3A, %add3A_10 : vector<2000xf32>
    %rsqrt3A = math.rsqrt %add3A_11 : vector<2000xf32>
    %get3A_12 = arith.constant 0 : index
    %get3A_13 = arith.constant 0 : index
    %get3A_14 = vector.load %arg1[%get3A_12, %get3A_13] : memref<2000x256xf32, #tpu.memory_space<vmem>>, vector<2000x256xf32>
    %get3A_15 = arith.constant 0 : index
    %get3A_16 = arith.constant 0 : index
    %get3A_17 = vector.load %arg2[%get3A_15, %get3A_16] : memref<256x256xf32, #tpu.memory_space<vmem>>, vector<256x256xf32>
    %dot_general3A = arith.constant dense<0.000000e+00> : vector<2000x256xf32>
    %dot_general3A_18 = tpu.matmul %get3A_14, %get3A_17, %dot_general3A {dimension_numbers = #tpu.dot_dimension_numbers<[1], [0], [0], [1], [0, 0, 1, 1], [], []>, transpose_lhs_hint = false} : vector<2000x256xf32>, vector<256x256xf32>, vector<2000x256xf32> -> vector<2000x256xf32>
    %broadcast_in_dim3A = vector.shape_cast %rsqrt3A : vector<2000xf32> to vector<2000x1xf32>
    %mul3A = vector.broadcast %broadcast_in_dim3A : vector<2000x1xf32> to vector<2000x256xf32>
    %mul3A_19 = arith.mulf %dot_general3A_18, %mul3A : vector<2000x256xf32>
    %slice3A = vector.extract_strided_slice %mul3A_19 {offsets = [0, 0], sizes = [2000, 128], strides = [1, 1]} : vector<2000x256xf32> to vector<2000x128xf32>
    %swap3A = arith.constant 0 : index
    %swap3A_20 = arith.constant 0 : index
    %swap3A_21 = arith.constant 0 : index
    %swap3A_22 = vector.load %arg4[%swap3A, %swap3A_20, %swap3A_21] : memref<2x2000x128xf32, #tpu.memory_space<vmem>>, vector<1x2000x128xf32>
    %swap3A_23 = vector.shape_cast %swap3A_22 : vector<1x2000x128xf32> to vector<2000x128xf32>
    %swap3A_24 = vector.shape_cast %slice3A : vector<2000x128xf32> to vector<1x2000x128xf32>
    tpu.vector_store %arg4[%swap3A, %swap3A_20, %swap3A_21], %swap3A_24 {strides = array<i32>} : memref<2x2000x128xf32, #tpu.memory_space<vmem>>, vector<1x2000x128xf32>,
    %slice3A_25 = vector.extract_strided_slice %mul3A_19 {offsets = [0, 128], sizes = [2000, 128], strides = [1, 1]} : vector<2000x256xf32> to vector<2000x128xf32>
    %swap3A_26 = arith.constant 1 : index
    %swap3A_27 = arith.constant 0 : index
    %swap3A_28 = arith.constant 0 : index
    %swap3A_29 = vector.load %arg4[%swap3A_26, %swap3A_27, %swap3A_28] : memref<2x2000x128xf32, #tpu.memory_space<vmem>>, vector<1x2000x128xf32>
    %swap3A_30 = vector.shape_cast %swap3A_29 : vector<1x2000x128xf32> to vector<2000x128xf32>
    %swap3A_31 = vector.shape_cast %slice3A_25 : vector<2000x128xf32> to vector<1x2000x128xf32>
    tpu.vector_store %arg4[%swap3A_26, %swap3A_27, %swap3A_28], %swap3A_31 {strides = array<i32>} : memref<2x2000x128xf32, #tpu.memory_space<vmem>>, vector<1x2000x128xf32>,
    return
  }
  func.func @transform_0(%arg0: i32) -> (i32, i32) {
    %c0_i32 = arith.constant 0 : i32
    %c0_i32_0 = arith.constant 0 : i32
    return %arg0, %c0_i32 : i32, i32
  }
  func.func @transform_1(%arg0: i32) -> (i32, i32) {
    %c0_i32 = arith.constant 0 : i32
    %c0_i32_0 = arith.constant 0 : i32
    %c0_i32_1 = arith.constant 0 : i32
    return %c0_i32, %c0_i32_0 : i32, i32
  }
  func.func @transform_2(%arg0: i32) -> (i32, i32, i32) {
    %jit3A = arith.constant 5 : i32
    %eq3A = arith.constant 0 : i32
    %eq3A_0 = arith.cmpi eq, %jit3A, %eq3A : i32
    %jit3A_1 = arith.constant 1 : i32
    %select_n3A = arith.select %eq3A_0, %jit3A_1, %jit3A : i32
    %rem3A = arith.remsi %arg0, %select_n3A : i32
    %ne3A = arith.constant 0 : i32
    %ne3A_2 = arith.cmpi ne, %rem3A, %ne3A : i32
    %lt3A = arith.constant 0 : i32
    %lt3A_3 = arith.cmpi slt, %rem3A, %lt3A : i32
    %lt3A_4 = arith.constant 0 : i32
    %lt3A_5 = arith.cmpi slt, %select_n3A, %lt3A_4 : i32
    %ne3A_6 = arith.xori %lt3A_3, %lt3A_5 : i1
    %and3A = arith.andi %ne3A_6, %ne3A_2 : i1
    %add3A = arith.addi %rem3A, %select_n3A : i32
    %select_n3A_7 = arith.select %and3A, %add3A, %rem3A : i32
    %c0_i32 = arith.constant 0 : i32
    %c0_i32_8 = arith.constant 0 : i32
    %c0_i32_9 = arith.constant 0 : i32
    return %c0_i32, %select_n3A_7, %c0_i32_8 : i32, i32, i32
  }
  func.func @transform_3(%arg0: i32) -> (i32, i32, i32) {
    %jit3A = arith.constant 5 : i32
    %div3A = arith.divsi %arg0, %jit3A : i32
    %sign3A = arith.constant 0 : i32
    %sign3A_0 = arith.cmpi sgt, %arg0, %sign3A : i32
    %sign3A_1 = arith.extui %sign3A_0 : i1 to i32
    %sign3A_2 = arith.constant 0 : i32
    %sign3A_3 = arith.cmpi slt, %arg0, %sign3A_2 : i32
    %sign3A_4 = arith.extui %sign3A_3 : i1 to i32
    %sign3A_5 = arith.subi %sign3A_1, %sign3A_4 : i32
    %sign3A_6 = arith.constant 0 : i32
    %sign3A_7 = arith.cmpi sgt, %jit3A, %sign3A_6 : i32
    %sign3A_8 = arith.extui %sign3A_7 : i1 to i32
    %sign3A_9 = arith.constant 0 : i32
    %sign3A_10 = arith.cmpi slt, %jit3A, %sign3A_9 : i32
    %sign3A_11 = arith.extui %sign3A_10 : i1 to i32
    %sign3A_12 = arith.subi %sign3A_8, %sign3A_11 : i32
    %ne3A = arith.cmpi ne, %sign3A_5, %sign3A_12 : i32
    %rem3A = arith.remsi %arg0, %jit3A : i32
    %ne3A_13 = arith.constant 0 : i32
    %ne3A_14 = arith.cmpi ne, %rem3A, %ne3A_13 : i32
    %and3A = arith.andi %ne3A, %ne3A_14 : i1
    %sub3A = arith.constant 1 : i32
    %sub3A_15 = arith.subi %div3A, %sub3A : i32
    %select_n3A = arith.select %and3A, %sub3A_15, %div3A : i32
    %jit3A_16 = arith.constant 5 : i32
    %eq3A = arith.constant 0 : i32
    %eq3A_17 = arith.cmpi eq, %jit3A_16, %eq3A : i32
    %jit3A_18 = arith.constant 1 : i32
    %select_n3A_19 = arith.select %eq3A_17, %jit3A_18, %jit3A_16 : i32
    %rem3A_20 = arith.remsi %arg0, %select_n3A_19 : i32
    %ne3A_21 = arith.constant 0 : i32
    %ne3A_22 = arith.cmpi ne, %rem3A_20, %ne3A_21 : i32
    %lt3A = arith.constant 0 : i32
    %lt3A_23 = arith.cmpi slt, %rem3A_20, %lt3A : i32
    %lt3A_24 = arith.constant 0 : i32
    %lt3A_25 = arith.cmpi slt, %select_n3A_19, %lt3A_24 : i32
    %ne3A_26 = arith.xori %lt3A_23, %lt3A_25 : i1
    %and3A_27 = arith.andi %ne3A_26, %ne3A_22 : i1
    %add3A = arith.addi %rem3A_20, %select_n3A_19 : i32
    %select_n3A_28 = arith.select %and3A_27, %add3A, %rem3A_20 : i32
    %c0_i32 = arith.constant 0 : i32
    %c0_i32_29 = arith.constant 0 : i32
    return %select_n3A, %select_n3A_28, %c0_i32 : i32, i32, i32
  }
}

module attributes {stable_mosaic.version = 14 : i64} {
  func.func @_post_body(%arg0: i32, %arg1: memref<4x1000x128xf32, #tpu.memory_space<vmem>>, %arg2: memref<4x1000x128xf32, #tpu.memory_space<vmem>>, %arg3: memref<4x1000x128xf32, #tpu.memory_space<vmem>>, %arg4: memref<4x1000x128xf32, #tpu.memory_space<vmem>>, %arg5: memref<2x1000x16xf32, #tpu.memory_space<vmem>>, %arg6: memref<2x1000x16xf32, #tpu.memory_space<vmem>>, %arg7: memref<1x1x1000xf32, #tpu.memory_space<vmem>>, %arg8: memref<256xf32, #tpu.memory_space<vmem>>, %arg9: memref<512x256xf32, #tpu.memory_space<vmem>>, %arg10: memref<256xf32, #tpu.memory_space<vmem>>, %arg11: memref<1000x256xf32, #tpu.memory_space<vmem>>, %arg12: memref<1000x256xf32, #tpu.memory_space<vmem>>, %arg13: memref<1x1x256xf32, #tpu.memory_space<vmem>>) attributes {dimension_semantics = [#tpu.dimension_semantics<arbitrary>], iteration_bounds = array<i64: 5>, scalar_prefetch = 0 : i64, scratch_operands = 0 : i64, tpu.core_type = #tpu.core_type<tc>, window_params = [{transform_indices = @transform_0, window_bounds = array<i64: 4, 1000, 128>}, {transform_indices = @transform_1, window_bounds = array<i64: 4, 1000, 128>}, {transform_indices = @transform_2, window_bounds = array<i64: 4, 1000, 128>}, {transform_indices = @transform_3, window_bounds = array<i64: 4, 1000, 128>}, {transform_indices = @transform_4, window_bounds = array<i64: 2, 1000, 16>}, {transform_indices = @transform_5, window_bounds = array<i64: 2, 1000, 16>}, {transform_indices = @transform_6, window_bounds = array<i64: 1, 1, 1000>}, {pipeline_mode = #tpu.pipeline_mode<synchronous>, transform_indices = @transform_7, window_bounds = array<i64: 256>}, {pipeline_mode = #tpu.pipeline_mode<synchronous>, transform_indices = @transform_8, window_bounds = array<i64: 512, 256>}, {pipeline_mode = #tpu.pipeline_mode<synchronous>, transform_indices = @transform_9, window_bounds = array<i64: 256>}, {transform_indices = @transform_10, window_bounds = array<i64: 1000, 256>}, {transform_indices = @transform_11, window_bounds = array<i64: 1000, 256>}, {transform_indices = @transform_12, window_bounds = array<i64: 1, 1, 256>}]} {
    %get3A = arith.constant 0 : index
    %get3A_0 = arith.constant 0 : index
    %get3A_1 = arith.constant 0 : index
    %get3A_2 = vector.load %arg5[%get3A, %get3A_0, %get3A_1] : memref<2x1000x16xf32, #tpu.memory_space<vmem>>, vector<1x1000x1xf32>
    %get3A_3 = vector.shape_cast %get3A_2 : vector<1x1000x1xf32> to vector<1000xf32>
    %get3A_4 = arith.constant 1 : index
    %get3A_5 = arith.constant 0 : index
    %get3A_6 = arith.constant 0 : index
    %get3A_7 = vector.load %arg5[%get3A_4, %get3A_5, %get3A_6] : memref<2x1000x16xf32, #tpu.memory_space<vmem>>, vector<1x1000x1xf32>
    %get3A_8 = vector.shape_cast %get3A_7 : vector<1x1000x1xf32> to vector<1000xf32>
    %add3A = arith.addf %get3A_3, %get3A_8 : vector<1000xf32>
    %add3A_9 = arith.constant 1.000000e+00 : f32
    %add3A_10 = vector.broadcast %add3A_9 : f32 to vector<1000xf32>
    %add3A_11 = arith.addf %add3A, %add3A_10 : vector<1000xf32>
    %rsqrt3A = math.rsqrt %add3A_11 : vector<1000xf32>
    %broadcast_in_dim3A = vector.shape_cast %rsqrt3A : vector<1000xf32> to vector<1000x1xf32>
    %get3A_12 = arith.constant 0 : index
    %get3A_13 = arith.constant 0 : index
    %get3A_14 = arith.constant 0 : index
    %get3A_15 = vector.load %arg6[%get3A_12, %get3A_13, %get3A_14] : memref<2x1000x16xf32, #tpu.memory_space<vmem>>, vector<1x1000x1xf32>
    %get3A_16 = vector.shape_cast %get3A_15 : vector<1x1000x1xf32> to vector<1000xf32>
    %get3A_17 = arith.constant 1 : index
    %get3A_18 = arith.constant 0 : index
    %get3A_19 = arith.constant 0 : index
    %get3A_20 = vector.load %arg6[%get3A_17, %get3A_18, %get3A_19] : memref<2x1000x16xf32, #tpu.memory_space<vmem>>, vector<1x1000x1xf32>
    %get3A_21 = vector.shape_cast %get3A_20 : vector<1x1000x1xf32> to vector<1000xf32>
    %add3A_22 = arith.addf %get3A_16, %get3A_21 : vector<1000xf32>
    %add3A_23 = arith.constant 1.000000e+00 : f32
    %add3A_24 = vector.broadcast %add3A_23 : f32 to vector<1000xf32>
    %add3A_25 = arith.addf %add3A_22, %add3A_24 : vector<1000xf32>
    %rsqrt3A_26 = math.rsqrt %add3A_25 : vector<1000xf32>
    %broadcast_in_dim3A_27 = vector.shape_cast %rsqrt3A_26 : vector<1000xf32> to vector<1000x1xf32>
    %get3A_28 = arith.constant 0 : index
    %get3A_29 = vector.load %arg8[%get3A_28] : memref<256xf32, #tpu.memory_space<vmem>>, vector<256xf32>
    %broadcast_in_dim3A_30 = vector.shape_cast %get3A_29 : vector<256xf32> to vector<1x256xf32>
    %get3A_31 = arith.constant 0 : index
    %get3A_32 = arith.constant 0 : index
    %get3A_33 = arith.constant 0 : index
    %get3A_34 = vector.load %arg7[%get3A_31, %get3A_32, %get3A_33] : memref<1x1x1000xf32, #tpu.memory_space<vmem>>, vector<1x1x1000xf32>
    %get3A_35 = vector.shape_cast %get3A_34 : vector<1x1x1000xf32> to vector<1000xf32>
    %broadcast_in_dim3A_36 = vector.shape_cast %get3A_35 : vector<1000xf32> to vector<1000x1xf32>
    %get3A_37 = arith.constant 0 : index
    %get3A_38 = arith.constant 0 : index
    %get3A_39 = arith.constant 0 : index
    %get3A_40 = vector.load %arg1[%get3A_37, %get3A_38, %get3A_39] : memref<4x1000x128xf32, #tpu.memory_space<vmem>>, vector<1x1000x128xf32>
    %get3A_41 = vector.shape_cast %get3A_40 : vector<1x1000x128xf32> to vector<1000x128xf32>
    %get3A_42 = arith.constant 1 : index
    %get3A_43 = arith.constant 0 : index
    %get3A_44 = arith.constant 0 : index
    %get3A_45 = vector.load %arg1[%get3A_42, %get3A_43, %get3A_44] : memref<4x1000x128xf32, #tpu.memory_space<vmem>>, vector<1x1000x128xf32>
    %get3A_46 = vector.shape_cast %get3A_45 : vector<1x1000x128xf32> to vector<1000x128xf32>
    %concatenate3A = tpu.concatenate %get3A_41, %get3A_46 in 1 : vector<1000x128xf32>, vector<1000x128xf32> -> vector<1000x256xf32>
    %get3A_47 = arith.constant 0 : index
    %get3A_48 = arith.constant 0 : index
    %get3A_49 = arith.constant 0 : index
    %get3A_50 = vector.load %arg3[%get3A_47, %get3A_48, %get3A_49] : memref<4x1000x128xf32, #tpu.memory_space<vmem>>, vector<1x1000x128xf32>
    %get3A_51 = vector.shape_cast %get3A_50 : vector<1x1000x128xf32> to vector<1000x128xf32>
    %get3A_52 = arith.constant 1 : index
    %get3A_53 = arith.constant 0 : index
    %get3A_54 = arith.constant 0 : index
    %get3A_55 = vector.load %arg3[%get3A_52, %get3A_53, %get3A_54] : memref<4x1000x128xf32, #tpu.memory_space<vmem>>, vector<1x1000x128xf32>
    %get3A_56 = vector.shape_cast %get3A_55 : vector<1x1000x128xf32> to vector<1000x128xf32>
    %concatenate3A_57 = tpu.concatenate %get3A_51, %get3A_56 in 1 : vector<1000x128xf32>, vector<1000x128xf32> -> vector<1000x256xf32>
    %add3A_58 = arith.addf %concatenate3A, %concatenate3A_57 : vector<1000x256xf32>
    %mul3A = vector.broadcast %broadcast_in_dim3A : vector<1000x1xf32> to vector<1000x256xf32>
    %mul3A_59 = arith.mulf %mul3A, %add3A_58 : vector<1000x256xf32>
    %add3A_60 = vector.broadcast %broadcast_in_dim3A_30 : vector<1x256xf32> to vector<1000x256xf32>
    %add3A_61 = arith.addf %mul3A_59, %add3A_60 : vector<1000x256xf32>
    %max3A = arith.constant 0.000000e+00 : f32
    %max3A_62 = vector.broadcast %max3A : f32 to vector<1000x256xf32>
    %max3A_63 = arith.maximumf %add3A_61, %max3A_62 : vector<1000x256xf32>
    %get3A_64 = arith.constant 0 : index
    %get3A_65 = arith.constant 0 : index
    %get3A_66 = arith.constant 0 : index
    %get3A_67 = vector.load %arg2[%get3A_64, %get3A_65, %get3A_66] : memref<4x1000x128xf32, #tpu.memory_space<vmem>>, vector<1x1000x128xf32>
    %get3A_68 = vector.shape_cast %get3A_67 : vector<1x1000x128xf32> to vector<1000x128xf32>
    %get3A_69 = arith.constant 1 : index
    %get3A_70 = arith.constant 0 : index
    %get3A_71 = arith.constant 0 : index
    %get3A_72 = vector.load %arg2[%get3A_69, %get3A_70, %get3A_71] : memref<4x1000x128xf32, #tpu.memory_space<vmem>>, vector<1x1000x128xf32>
    %get3A_73 = vector.shape_cast %get3A_72 : vector<1x1000x128xf32> to vector<1000x128xf32>
    %concatenate3A_74 = tpu.concatenate %get3A_68, %get3A_73 in 1 : vector<1000x128xf32>, vector<1000x128xf32> -> vector<1000x256xf32>
    %get3A_75 = arith.constant 0 : index
    %get3A_76 = arith.constant 0 : index
    %get3A_77 = arith.constant 0 : index
    %get3A_78 = vector.load %arg4[%get3A_75, %get3A_76, %get3A_77] : memref<4x1000x128xf32, #tpu.memory_space<vmem>>, vector<1x1000x128xf32>
    %get3A_79 = vector.shape_cast %get3A_78 : vector<1x1000x128xf32> to vector<1000x128xf32>
    %get3A_80 = arith.constant 1 : index
    %get3A_81 = arith.constant 0 : index
    %get3A_82 = arith.constant 0 : index
    %get3A_83 = vector.load %arg4[%get3A_80, %get3A_81, %get3A_82] : memref<4x1000x128xf32, #tpu.memory_space<vmem>>, vector<1x1000x128xf32>
    %get3A_84 = vector.shape_cast %get3A_83 : vector<1x1000x128xf32> to vector<1000x128xf32>
    %concatenate3A_85 = tpu.concatenate %get3A_79, %get3A_84 in 1 : vector<1000x128xf32>, vector<1000x128xf32> -> vector<1000x256xf32>
    %add3A_86 = arith.addf %concatenate3A_74, %concatenate3A_85 : vector<1000x256xf32>
    %mul3A_87 = vector.broadcast %broadcast_in_dim3A_27 : vector<1000x1xf32> to vector<1000x256xf32>
    %mul3A_88 = arith.mulf %mul3A_87, %add3A_86 : vector<1000x256xf32>
    %add3A_89 = vector.broadcast %broadcast_in_dim3A_30 : vector<1x256xf32> to vector<1000x256xf32>
    %add3A_90 = arith.addf %mul3A_88, %add3A_89 : vector<1000x256xf32>
    %max3A_91 = arith.constant 0.000000e+00 : f32
    %max3A_92 = vector.broadcast %max3A_91 : f32 to vector<1000x256xf32>
    %max3A_93 = arith.maximumf %add3A_90, %max3A_92 : vector<1000x256xf32>
    %get3A_94 = arith.constant 2 : index
    %get3A_95 = arith.constant 0 : index
    %get3A_96 = arith.constant 0 : index
    %get3A_97 = vector.load %arg1[%get3A_94, %get3A_95, %get3A_96] : memref<4x1000x128xf32, #tpu.memory_space<vmem>>, vector<1x1000x128xf32>
    %get3A_98 = vector.shape_cast %get3A_97 : vector<1x1000x128xf32> to vector<1000x128xf32>
    %get3A_99 = arith.constant 3 : index
    %get3A_100 = arith.constant 0 : index
    %get3A_101 = arith.constant 0 : index
    %get3A_102 = vector.load %arg1[%get3A_99, %get3A_100, %get3A_101] : memref<4x1000x128xf32, #tpu.memory_space<vmem>>, vector<1x1000x128xf32>
    %get3A_103 = vector.shape_cast %get3A_102 : vector<1x1000x128xf32> to vector<1000x128xf32>
    %concatenate3A_104 = tpu.concatenate %get3A_98, %get3A_103 in 1 : vector<1000x128xf32>, vector<1000x128xf32> -> vector<1000x256xf32>
    %get3A_105 = arith.constant 2 : index
    %get3A_106 = arith.constant 0 : index
    %get3A_107 = arith.constant 0 : index
    %get3A_108 = vector.load %arg3[%get3A_105, %get3A_106, %get3A_107] : memref<4x1000x128xf32, #tpu.memory_space<vmem>>, vector<1x1000x128xf32>
    %get3A_109 = vector.shape_cast %get3A_108 : vector<1x1000x128xf32> to vector<1000x128xf32>
    %get3A_110 = arith.constant 3 : index
    %get3A_111 = arith.constant 0 : index
    %get3A_112 = arith.constant 0 : index
    %get3A_113 = vector.load %arg3[%get3A_110, %get3A_111, %get3A_112] : memref<4x1000x128xf32, #tpu.memory_space<vmem>>, vector<1x1000x128xf32>
    %get3A_114 = vector.shape_cast %get3A_113 : vector<1x1000x128xf32> to vector<1000x128xf32>
    %concatenate3A_115 = tpu.concatenate %get3A_109, %get3A_114 in 1 : vector<1000x128xf32>, vector<1000x128xf32> -> vector<1000x256xf32>
    %add3A_116 = arith.addf %concatenate3A_104, %concatenate3A_115 : vector<1000x256xf32>
    %mul3A_117 = vector.broadcast %broadcast_in_dim3A : vector<1000x1xf32> to vector<1000x256xf32>
    %mul3A_118 = arith.mulf %mul3A_117, %add3A_116 : vector<1000x256xf32>
    %add3A_119 = vector.broadcast %broadcast_in_dim3A_30 : vector<1x256xf32> to vector<1000x256xf32>
    %add3A_120 = arith.addf %mul3A_118, %add3A_119 : vector<1000x256xf32>
    %max3A_121 = arith.constant 0.000000e+00 : f32
    %max3A_122 = vector.broadcast %max3A_121 : f32 to vector<1000x256xf32>
    %max3A_123 = arith.maximumf %add3A_120, %max3A_122 : vector<1000x256xf32>
    %get3A_124 = arith.constant 2 : index
    %get3A_125 = arith.constant 0 : index
    %get3A_126 = arith.constant 0 : index
    %get3A_127 = vector.load %arg2[%get3A_124, %get3A_125, %get3A_126] : memref<4x1000x128xf32, #tpu.memory_space<vmem>>, vector<1x1000x128xf32>
    %get3A_128 = vector.shape_cast %get3A_127 : vector<1x1000x128xf32> to vector<1000x128xf32>
    %get3A_129 = arith.constant 3 : index
    %get3A_130 = arith.constant 0 : index
    %get3A_131 = arith.constant 0 : index
    %get3A_132 = vector.load %arg2[%get3A_129, %get3A_130, %get3A_131] : memref<4x1000x128xf32, #tpu.memory_space<vmem>>, vector<1x1000x128xf32>
    %get3A_133 = vector.shape_cast %get3A_132 : vector<1x1000x128xf32> to vector<1000x128xf32>
    %concatenate3A_134 = tpu.concatenate %get3A_128, %get3A_133 in 1 : vector<1000x128xf32>, vector<1000x128xf32> -> vector<1000x256xf32>
    %get3A_135 = arith.constant 2 : index
    %get3A_136 = arith.constant 0 : index
    %get3A_137 = arith.constant 0 : index
    %get3A_138 = vector.load %arg4[%get3A_135, %get3A_136, %get3A_137] : memref<4x1000x128xf32, #tpu.memory_space<vmem>>, vector<1x1000x128xf32>
    %get3A_139 = vector.shape_cast %get3A_138 : vector<1x1000x128xf32> to vector<1000x128xf32>
    %get3A_140 = arith.constant 3 : index
    %get3A_141 = arith.constant 0 : index
    %get3A_142 = arith.constant 0 : index
    %get3A_143 = vector.load %arg4[%get3A_140, %get3A_141, %get3A_142] : memref<4x1000x128xf32, #tpu.memory_space<vmem>>, vector<1x1000x128xf32>
    %get3A_144 = vector.shape_cast %get3A_143 : vector<1x1000x128xf32> to vector<1000x128xf32>
    %concatenate3A_145 = tpu.concatenate %get3A_139, %get3A_144 in 1 : vector<1000x128xf32>, vector<1000x128xf32> -> vector<1000x256xf32>
    %add3A_146 = arith.addf %concatenate3A_134, %concatenate3A_145 : vector<1000x256xf32>
    %mul3A_147 = vector.broadcast %broadcast_in_dim3A_27 : vector<1000x1xf32> to vector<1000x256xf32>
    %mul3A_148 = arith.mulf %mul3A_147, %add3A_146 : vector<1000x256xf32>
    %add3A_149 = vector.broadcast %broadcast_in_dim3A_30 : vector<1x256xf32> to vector<1000x256xf32>
    %add3A_150 = arith.addf %mul3A_148, %add3A_149 : vector<1000x256xf32>
    %max3A_151 = arith.constant 0.000000e+00 : f32
    %max3A_152 = vector.broadcast %max3A_151 : f32 to vector<1000x256xf32>
    %max3A_153 = arith.maximumf %add3A_150, %max3A_152 : vector<1000x256xf32>
    %concatenate3A_154 = tpu.concatenate %max3A_63, %max3A_93 in 1 : vector<1000x256xf32>, vector<1000x256xf32> -> vector<1000x512xf32>
    %concatenate3A_155 = tpu.concatenate %max3A_123, %max3A_153 in 1 : vector<1000x256xf32>, vector<1000x256xf32> -> vector<1000x512xf32>
    %get3A_156 = arith.constant 0 : index
    %get3A_157 = arith.constant 0 : index
    %get3A_158 = vector.load %arg9[%get3A_156, %get3A_157] : memref<512x256xf32, #tpu.memory_space<vmem>>, vector<512x256xf32>
    %get3A_159 = arith.constant 0 : index
    %get3A_160 = vector.load %arg10[%get3A_159] : memref<256xf32, #tpu.memory_space<vmem>>, vector<256xf32>
    %broadcast_in_dim3A_161 = vector.shape_cast %get3A_160 : vector<256xf32> to vector<1x256xf32>
    %dot_general3A = arith.constant dense<0.000000e+00> : vector<1000x256xf32>
    %dot_general3A_162 = tpu.matmul %concatenate3A_154, %get3A_158, %dot_general3A {dimension_numbers = #tpu.dot_dimension_numbers<[1], [0], [0], [1], [0, 0, 1, 1], [], []>, transpose_lhs_hint = false} : vector<1000x512xf32>, vector<512x256xf32>, vector<1000x256xf32> -> vector<1000x256xf32>
    %add3A_163 = vector.broadcast %broadcast_in_dim3A_161 : vector<1x256xf32> to vector<1000x256xf32>
    %add3A_164 = arith.addf %dot_general3A_162, %add3A_163 : vector<1000x256xf32>
    %max3A_165 = arith.constant 0.000000e+00 : f32
    %max3A_166 = vector.broadcast %max3A_165 : f32 to vector<1000x256xf32>
    %max3A_167 = arith.maximumf %add3A_164, %max3A_166 : vector<1000x256xf32>
    %dot_general3A_168 = arith.constant dense<0.000000e+00> : vector<1000x256xf32>
    %dot_general3A_169 = tpu.matmul %concatenate3A_155, %get3A_158, %dot_general3A_168 {dimension_numbers = #tpu.dot_dimension_numbers<[1], [0], [0], [1], [0, 0, 1, 1], [], []>, transpose_lhs_hint = false} : vector<1000x512xf32>, vector<512x256xf32>, vector<1000x256xf32> -> vector<1000x256xf32>
    %add3A_170 = vector.broadcast %broadcast_in_dim3A_161 : vector<1x256xf32> to vector<1000x256xf32>
    %add3A_171 = arith.addf %dot_general3A_169, %add3A_170 : vector<1000x256xf32>
    %max3A_172 = arith.constant 0.000000e+00 : f32
    %max3A_173 = vector.broadcast %max3A_172 : f32 to vector<1000x256xf32>
    %max3A_174 = arith.maximumf %add3A_171, %max3A_173 : vector<1000x256xf32>
    %swap3A = arith.constant 0 : index
    %swap3A_175 = arith.constant 0 : index
    %swap3A_176 = vector.load %arg11[%swap3A, %swap3A_175] : memref<1000x256xf32, #tpu.memory_space<vmem>>, vector<1000x256xf32>
    tpu.vector_store %arg11[%swap3A, %swap3A_175], %max3A_167 {strides = array<i32>} : memref<1000x256xf32, #tpu.memory_space<vmem>>, vector<1000x256xf32>,
    %swap3A_177 = arith.constant 0 : index
    %swap3A_178 = arith.constant 0 : index
    %swap3A_179 = vector.load %arg12[%swap3A_177, %swap3A_178] : memref<1000x256xf32, #tpu.memory_space<vmem>>, vector<1000x256xf32>
    tpu.vector_store %arg12[%swap3A_177, %swap3A_178], %max3A_174 {strides = array<i32>} : memref<1000x256xf32, #tpu.memory_space<vmem>>, vector<1000x256xf32>,
    %mul3A_180 = vector.broadcast %broadcast_in_dim3A_36 : vector<1000x1xf32> to vector<1000x256xf32>
    %mul3A_181 = arith.mulf %max3A_167, %mul3A_180 : vector<1000x256xf32>
    %reduce_sum3A = arith.constant dense<0.000000e+00> : vector<256xf32>
    %reduce_sum3A_182 = vector.multi_reduction <add>, %mul3A_181, %reduce_sum3A [0] : vector<1000x256xf32> to vector<256xf32>
    %swap3A_183 = arith.constant 0 : index
    %swap3A_184 = arith.constant 0 : index
    %swap3A_185 = arith.constant 0 : index
    %swap3A_186 = vector.load %arg13[%swap3A_183, %swap3A_184, %swap3A_185] : memref<1x1x256xf32, #tpu.memory_space<vmem>>, vector<1x1x256xf32>
    %swap3A_187 = vector.shape_cast %swap3A_186 : vector<1x1x256xf32> to vector<256xf32>
    %swap3A_188 = vector.shape_cast %reduce_sum3A_182 : vector<256xf32> to vector<1x1x256xf32>
    tpu.vector_store %arg13[%swap3A_183, %swap3A_184, %swap3A_185], %swap3A_188 {strides = array<i32>} : memref<1x1x256xf32, #tpu.memory_space<vmem>>, vector<1x1x256xf32>,
    return
  }
  func.func @transform_0(%arg0: i32) -> (i32, i32, i32) {
    %c0_i32 = arith.constant 0 : i32
    %c0_i32_0 = arith.constant 0 : i32
    %c0_i32_1 = arith.constant 0 : i32
    return %c0_i32, %arg0, %c0_i32_0 : i32, i32, i32
  }
  func.func @transform_1(%arg0: i32) -> (i32, i32, i32) {
    %add3A = arith.constant 5 : i32
    %add3A_0 = arith.addi %arg0, %add3A : i32
    %c0_i32 = arith.constant 0 : i32
    %c0_i32_1 = arith.constant 0 : i32
    %c0_i32_2 = arith.constant 0 : i32
    return %c0_i32, %add3A_0, %c0_i32_1 : i32, i32, i32
  }
  func.func @transform_2(%arg0: i32) -> (i32, i32, i32) {
    %c0_i32 = arith.constant 0 : i32
    %c0_i32_0 = arith.constant 0 : i32
    %c0_i32_1 = arith.constant 0 : i32
    return %c0_i32, %arg0, %c0_i32_0 : i32, i32, i32
  }
  func.func @transform_3(%arg0: i32) -> (i32, i32, i32) {
    %add3A = arith.constant 5 : i32
    %add3A_0 = arith.addi %arg0, %add3A : i32
    %c0_i32 = arith.constant 0 : i32
    %c0_i32_1 = arith.constant 0 : i32
    %c0_i32_2 = arith.constant 0 : i32
    return %c0_i32, %add3A_0, %c0_i32_1 : i32, i32, i32
  }
  func.func @transform_4(%arg0: i32) -> (i32, i32, i32) {
    %c0_i32 = arith.constant 0 : i32
    %c0_i32_0 = arith.constant 0 : i32
    %c0_i32_1 = arith.constant 0 : i32
    return %c0_i32, %arg0, %c0_i32_0 : i32, i32, i32
  }
  func.func @transform_5(%arg0: i32) -> (i32, i32, i32) {
    %add3A = arith.constant 5 : i32
    %add3A_0 = arith.addi %arg0, %add3A : i32
    %c0_i32 = arith.constant 0 : i32
    %c0_i32_1 = arith.constant 0 : i32
    %c0_i32_2 = arith.constant 0 : i32
    return %c0_i32, %add3A_0, %c0_i32_1 : i32, i32, i32
  }
  func.func @transform_6(%arg0: i32) -> (i32, i32, i32) {
    %c0_i32 = arith.constant 0 : i32
    %c0_i32_0 = arith.constant 0 : i32
    %c0_i32_1 = arith.constant 0 : i32
    return %arg0, %c0_i32, %c0_i32_0 : i32, i32, i32
  }
  func.func @transform_7(%arg0: i32) -> i32 {
    %c0_i32 = arith.constant 0 : i32
    %c0_i32_0 = arith.constant 0 : i32
    return %c0_i32 : i32
  }
  func.func @transform_8(%arg0: i32) -> (i32, i32) {
    %c0_i32 = arith.constant 0 : i32
    %c0_i32_0 = arith.constant 0 : i32
    %c0_i32_1 = arith.constant 0 : i32
    return %c0_i32, %c0_i32_0 : i32, i32
  }
  func.func @transform_9(%arg0: i32) -> i32 {
    %c0_i32 = arith.constant 0 : i32
    %c0_i32_0 = arith.constant 0 : i32
    return %c0_i32 : i32
  }
  func.func @transform_10(%arg0: i32) -> (i32, i32) {
    %c0_i32 = arith.constant 0 : i32
    %c0_i32_0 = arith.constant 0 : i32
    return %arg0, %c0_i32 : i32, i32
  }
  func.func @transform_11(%arg0: i32) -> (i32, i32) {
    %c0_i32 = arith.constant 0 : i32
    %c0_i32_0 = arith.constant 0 : i32
    return %arg0, %c0_i32 : i32, i32
  }
  func.func @transform_12(%arg0: i32) -> (i32, i32, i32) {
    %c0_i32 = arith.constant 0 : i32
    %c0_i32_0 = arith.constant 0 : i32
    %c0_i32_1 = arith.constant 0 : i32
    return %arg0, %c0_i32, %c0_i32_0 : i32, i32, i32
  }
}

module attributes {stable_mosaic.version = 14 : i64} {
  func.func @_disc_body(%arg0: memref<5x1x256xf32, #tpu.memory_space<vmem>>, %arg1: memref<5000xf32, #tpu.memory_space<vmem>>, %arg2: memref<256x256xf32, #tpu.memory_space<vmem>>, %arg3: memref<5000x256xf32, #tpu.memory_space<vmem>>, %arg4: memref<5000x256xf32, #tpu.memory_space<vmem>>, %arg5: memref<5000xf32, #tpu.memory_space<vmem>>, %arg6: memref<5000xf32, #tpu.memory_space<vmem>>, %arg7: memref<1xf32, #tpu.memory_space<vmem>>, %arg8: memref<10000xf32, #tpu.memory_space<vmem>>) attributes {dimension_semantics = [], scalar_prefetch = 0 : i64, scratch_operands = 0 : i64, tpu.core_type = #tpu.core_type<tc>} {
    %get3A = arith.constant 0 : index
    %get3A_0 = vector.load %arg1[%get3A] : memref<5000xf32, #tpu.memory_space<vmem>>, vector<5000xf32>
    %reduce_sum3A = vector.shape_cast %get3A_0 : vector<5000xf32> to vector<1x5000xf32>
    %reduce_sum3A_1 = arith.constant dense<0.000000e+00> : vector<1xf32>
    %reduce_sum3A_2 = vector.multi_reduction <add>, %reduce_sum3A, %reduce_sum3A_1 [1] : vector<1x5000xf32> to vector<1xf32>
    %reduce_sum3A_3 = vector.shape_cast %reduce_sum3A_2 : vector<1xf32> to vector<1x1xf32>
    %reduce_sum3A_4 = vector.extract %reduce_sum3A_3[0, 0] : f32 from vector<1x1xf32>
    %get3A_5 = arith.constant 0 : index
    %get3A_6 = arith.constant 0 : index
    %get3A_7 = arith.constant 0 : index
    %get3A_8 = vector.load %arg0[%get3A_5, %get3A_6, %get3A_7] : memref<5x1x256xf32, #tpu.memory_space<vmem>>, vector<5x1x256xf32>
    %reduce_sum3A_9 = arith.constant dense<0.000000e+00> : vector<256xf32>
    %reduce_sum3A_10 = vector.multi_reduction <add>, %get3A_8, %reduce_sum3A_9 [0, 1] : vector<5x1x256xf32> to vector<256xf32>
    %div3A = vector.broadcast %reduce_sum3A_4 : f32 to vector<256xf32>
    %div3A_11 = arith.divf %reduce_sum3A_10, %div3A : vector<256xf32>
    %neg3A = arith.constant 0.000000e+00 : f32
    %neg3A_12 = vector.broadcast %neg3A : f32 to vector<256xf32>
    %neg3A_13 = arith.subf %neg3A_12, %div3A_11 : vector<256xf32>
    %exp3A = math.exp %neg3A_13 : vector<256xf32>
    %add3A = arith.constant 1.000000e+00 : f32
    %add3A_14 = vector.broadcast %add3A : f32 to vector<256xf32>
    %add3A_15 = arith.addf %add3A_14, %exp3A : vector<256xf32>
    %div3A_16 = arith.constant 1.000000e+00 : f32
    %div3A_17 = vector.broadcast %div3A_16 : f32 to vector<256xf32>
    %div3A_18 = arith.divf %div3A_17, %add3A_15 : vector<256xf32>
    %get3A_19 = arith.constant 0 : index
    %get3A_20 = arith.constant 0 : index
    %get3A_21 = vector.load %arg2[%get3A_19, %get3A_20] : memref<256x256xf32, #tpu.memory_space<vmem>>, vector<256x256xf32>
    %broadcast_in_dim3A = vector.shape_cast %div3A_18 : vector<256xf32> to vector<256x1xf32>
    %dot_general3A = arith.constant dense<0.000000e+00> : vector<256x1xf32>
    %dot_general3A_22 = tpu.matmul %get3A_21, %broadcast_in_dim3A, %dot_general3A {dimension_numbers = #tpu.dot_dimension_numbers<[1], [0], [0], [1], [0, 0, 1, 1], [], []>, transpose_lhs_hint = false} : vector<256x256xf32>, vector<256x1xf32>, vector<256x1xf32> -> vector<256x1xf32>
    %get3A_23 = arith.constant 0 : index
    %get3A_24 = arith.constant 0 : index
    %get3A_25 = vector.load %arg3[%get3A_23, %get3A_24] : memref<5000x256xf32, #tpu.memory_space<vmem>>, vector<5000x256xf32>
    %dot_general3A_26 = arith.constant dense<0.000000e+00> : vector<5000x1xf32>
    %dot_general3A_27 = tpu.matmul %get3A_25, %dot_general3A_22, %dot_general3A_26 {dimension_numbers = #tpu.dot_dimension_numbers<[1], [0], [0], [1], [0, 0, 1, 1], [], []>, transpose_lhs_hint = false} : vector<5000x256xf32>, vector<256x1xf32>, vector<5000x1xf32> -> vector<5000x1xf32>
    %squeeze3A = vector.shape_cast %dot_general3A_27 : vector<5000x1xf32> to vector<5000xf32>
    %get3A_28 = arith.constant 0 : index
    %get3A_29 = arith.constant 0 : index
    %get3A_30 = vector.load %arg4[%get3A_28, %get3A_29] : memref<5000x256xf32, #tpu.memory_space<vmem>>, vector<5000x256xf32>
    %dot_general3A_31 = arith.constant dense<0.000000e+00> : vector<5000x1xf32>
    %dot_general3A_32 = tpu.matmul %get3A_30, %dot_general3A_22, %dot_general3A_31 {dimension_numbers = #tpu.dot_dimension_numbers<[1], [0], [0], [1], [0, 0, 1, 1], [], []>, transpose_lhs_hint = false} : vector<5000x256xf32>, vector<256x1xf32>, vector<5000x1xf32> -> vector<5000x1xf32>
    %squeeze3A_33 = vector.shape_cast %dot_general3A_32 : vector<5000x1xf32> to vector<5000xf32>
    %get3A_34 = arith.constant 0 : index
    %get3A_35 = vector.load %arg7[%get3A_34] : memref<1xf32, #tpu.memory_space<vmem>>, vector<1xf32>
    %get3A_36 = vector.extract %get3A_35[0] : f32 from vector<1xf32>
    %add3A_37 = vector.broadcast %get3A_36 : f32 to vector<5000xf32>
    %add3A_38 = arith.addf %squeeze3A, %add3A_37 : vector<5000xf32>
    %get3A_39 = arith.constant 0 : index
    %get3A_40 = vector.load %arg5[%get3A_39] : memref<5000xf32, #tpu.memory_space<vmem>>, vector<5000xf32>
    %add3A_41 = arith.addf %add3A_38, %get3A_40 : vector<5000xf32>
    %swap3A = arith.constant 0 : index
    %swap3A_42 = vector.load %arg8[%swap3A] : memref<10000xf32, #tpu.memory_space<vmem>>, vector<5000xf32>
    tpu.vector_store %arg8[%swap3A], %add3A_41 {strides = array<i32>} : memref<10000xf32, #tpu.memory_space<vmem>>, vector<5000xf32>,
    %get3A_43 = arith.constant 0 : index
    %get3A_44 = vector.load %arg7[%get3A_43] : memref<1xf32, #tpu.memory_space<vmem>>, vector<1xf32>
    %get3A_45 = vector.extract %get3A_44[0] : f32 from vector<1xf32>
    %add3A_46 = vector.broadcast %get3A_45 : f32 to vector<5000xf32>
    %add3A_47 = arith.addf %squeeze3A_33, %add3A_46 : vector<5000xf32>
    %get3A_48 = arith.constant 0 : index
    %get3A_49 = vector.load %arg6[%get3A_48] : memref<5000xf32, #tpu.memory_space<vmem>>, vector<5000xf32>
    %add3A_50 = arith.addf %add3A_47, %get3A_49 : vector<5000xf32>
    %swap3A_51 = arith.constant 5000 : index
    %swap3A_52 = vector.load %arg8[%swap3A_51] : memref<10000xf32, #tpu.memory_space<vmem>>, vector<5000xf32>
    tpu.vector_store %arg8[%swap3A_51], %add3A_50 {strides = array<i32>} : memref<10000xf32, #tpu.memory_space<vmem>>, vector<5000xf32>,
    return
  }
}

</mosaic_0001>

<sc_bundles>
// kernel: kernel.10.cloned.1.call-start
scs
__scs_entry_jumppad:
0x0: {  	(pc) =	sbr.rel $0x88, $3  }
0x1: {  	(tag) =	ssettag $0x0;
	lr =	simm.s32 $0x1  }
0x2: {  	[smem:$0x3F95] =	sst lr;
	_ =	strace $0xD0000000  }
0x3: {  	_ = 	snop  }
0x4: {  	_ = 	snop  }
0x5: {  	_ = 	snop  }
0x6: {  	_ = 	snop  }
0x7: {  	_ = 	snop  }
__scs_overlays_trampoline_lowered:
0x8: {  	[smem:$0x3FA4] =	sst s0  }
0x9: {  	[smem:$0x3FA5] =	sst s1  }
0xa: {  	[smem:$0x3FA6] =	sst s2  }
0xb: {  	[smem:$0x3FA7] =	sst s3  }
0xc: {  	[smem:$0x3FA8] =	sst s4  }
0xd: {  	[smem:$0x3FA9] =	sst s5  }
0xe: {  	[smem:$0x3FAA] =	sst s6  }
0xf: {  	[smem:$0x3FAB] =	sst s7  }
0x10: {  	[smem:$0x3FAC] =	sst s8  }
0x11: {  	[smem:$0x3FAD] =	sst s9;
	s0 =	simm.s32 @!p0 $0x0  }
0x12: {  	s1 =	sld [smem:$0x3F93];
	s0 =	simm.s32 @p0 $0x1  }
0x13: {  	[smem:$0x3FAE] =	sst s0;
	s0 =	simm.s32 @!p1 $0x0  }
0x14: {  	s2 =	sld [smem:$0x3F92];
	s0 =	simm.s32 @p1 $0x1  }
0x15: {  	[smem:$0x3FAF] =	sst s0;
	s0 =	simm.s32 @!p2 $0x0  }
0x16: {  	s3 =	sld [smem:$0x3FDB];
	s0 =	simm.s32 @p2 $0x1  }
0x17: {  	s4 =	simm.s32 $0x1BF5;
	[smem:$0x3FB1] =	sst s0  }
0x18: {  	s0 =	sld [smem:$0x3F94];
	_ =	swait.ge [sflag:s4], $0x0  }
0x19: {  	s7 =	sld [smem:$0x3F95]  }
0x1a: {  	s8 =	sadd.s32 $0xFFFFE003, lr  }
0x1b: {  	s9 =	sadd.s32 $0xFFFFFEF7, lr;
	s5 =	simm.s32 $0xFFFFFFFF;
	p2 =	slt.u32 s8, $0xFFFFF086  }
0x1c: {  	p1 =	slt.u32 s9, $0xF7A;
	s5 =	simm.s32 @!p2 $0x0  }
0x1d: {  	s5 =	simm.s32 @p1 $0x1;
	p0 =	seq.s32 s7, s2  }
0x1e: {  	s7 =	smul.u32 @!p0 $0xF7A, s2;
	p2 =	seq.s32 @!p0 s5, $0x0  }
0x1f: {  	s9 =	smul.u32 $0xF7A, s1;
	s8 =	simm.s32 @!p0 $0x1BF5;
	p2 =	por !p2, p0  }
0x20: {  	[sflag:s8] =	ssyncset.s32 @!p0 $0xFFFFF086;
	s6 =	sadd.s32 @!p0 s3, s7;
	s7 =	simm.s32 @!p0 $0x108  }
0x21: {  	s3 =	sadd.s32 s3, s9;
	s6 =	sadd.s32 @!p0 $0x88, s6;
	s7 =	simm.s32 @p2 $0x1082  }
0x22: {  	[simem:s7], [sflag:s8] =	dma.local @!p0 [hbm:s6], $0xF7A  }
0x23: {  	s9 =	sor.u32 $0xD0000000, s2;
	s6 =	simm.s32 $0x108;
	_ =	swait.ge @!p0 [sflag:s8], $0x0  }
0x24: {  	s3 =	sadd.s32 $0x88, s3;
	s6 =	simm.s32 @!p1 $0x1082;
	[sflag:s4] =	ssyncset.s32 $0xFFFFF086  }
0x25: {  	[simem:s6], [sflag:s4] =	dma.local [hbm:s3], $0xF7A  }
0x26: {  	[smem:$0x3F95] =	sst s1;
	(tag) =	ssettag s2;
	_ =	strace s9  }
0x27: {  	s1 =	sld [smem:$0x3FA5]  }
0x28: {  	s2 =	sld [smem:$0x3FA6]  }
0x29: {  	s4 =	sld [smem:$0x3FA8]  }
0x2a: {  	p0 =	seq.s32 s5, $0x0;
	s5 =	sld [smem:$0x3FA9]  }
0x2b: {  	s6 =	sld [smem:$0x3FAA]  }
0x2c: {  	s7 =	sld [smem:$0x3FAB]  }
0x2d: {  	s3 =	simm.s32 $0x108;
	s8 =	sld [smem:$0x3FAC]  }
0x2e: {  	s3 =	simm.s32 @!p0 $0x1082;
	s9 =	sld [smem:$0x3FAD]  }
0x2f: {  	lr =	sadd.s32 s0, s3;
	s0 =	sld [smem:$0x3FA4]  }
0x30: {  	s3 =	sld [smem:$0x3FA7]  }
0x31: {  	[smem:$0x3FB0] =	sst s10  }
0x32: {  	s10 =	sld [smem:$0x3FAE];
	_ =	sdelay $0x3  }
0x33: {  	p0 =	seq.s32 s10, $0x1;
	s10 =	sld [smem:$0x3FB0];
	_ =	sdelay $0x3  }
0x34: {  	[smem:$0x3FB0] =	sst s10  }
0x35: {  	s10 =	sld [smem:$0x3FAF];
	_ =	sdelay $0x3  }
0x36: {  	p1 =	seq.s32 s10, $0x1;
	s10 =	sld [smem:$0x3FB0];
	_ =	sdelay $0x3  }
0x37: {  	[smem:$0x3FB0] =	sst s10  }
0x38: {  	s10 =	sld [smem:$0x3FB1]  }
0x39: {  	_ = 	snop;
	(pc) =	sbr.ind lr, $3  }
0x3a: {  	_ = 	snop  }
0x3b: {  	_ = 	snop  }
0x3c: {  	p2 =	seq.s32 s10, $0x1;
	s10 =	sld [smem:$0x3FB0]  }
0x3d: {  	_ =	shalt  }
0x3e: {  	_ =	shalt  }
0x3f: {  	_ =	shalt  }
0x40: {  	_ =	shalt  }
0x41: {  	_ =	shalt  }
0x42: {  	_ =	shalt  }
0x43: {  	_ =	shalt  }
0x44: {  	_ =	shalt  }
0x45: {  	_ =	shalt  }
0x46: {  	_ =	shalt  }
0x47: {  	_ =	shalt  }
0x48: {  	_ =	shalt  }
0x49: {  	_ =	shalt  }
0x4a: {  	_ =	shalt  }
0x4b: {  	_ =	shalt  }
0x4c: {  	_ =	shalt  }
0x4d: {  	_ =	shalt  }
0x4e: {  	_ =	shalt  }
0x4f: {  	_ =	shalt  }
0x50: {  	_ =	shalt  }
0x51: {  	_ =	shalt  }
0x52: {  	_ =	shalt  }
0x53: {  	_ =	shalt  }
0x54: {  	_ =	shalt  }
0x55: {  	_ =	shalt  }
0x56: {  	_ =	shalt  }
0x57: {  	_ =	shalt  }
0x58: {  	_ =	shalt  }
0x59: {  	_ =	shalt  }
0x5a: {  	_ =	shalt  }
0x5b: {  	_ =	shalt  }
0x5c: {  	_ =	shalt  }
0x5d: {  	_ =	shalt  }
0x5e: {  	_ =	shalt  }
0x5f: {  	_ =	shalt  }
0x60: {  	_ =	shalt  }
0x61: {  	_ =	shalt  }
0x62: {  	_ =	shalt  }
0x63: {  	_ =	shalt  }
0x64: {  	_ =	shalt  }
0x65: {  	_ =	shalt  }
0x66: {  	_ =	shalt  }
0x67: {  	_ =	shalt  }
0x68: {  	_ =	shalt  }
0x69: {  	_ =	shalt  }
0x6a: {  	_ =	shalt  }
0x6b: {  	_ =	shalt  }
0x6c: {  	_ =	shalt  }
0x6d: {  	_ =	shalt  }
0x6e: {  	_ =	shalt  }
0x6f: {  	_ =	shalt  }
0x70: {  	_ =	shalt  }
0x71: {  	_ =	shalt  }
0x72: {  	_ =	shalt  }
0x73: {  	_ =	shalt  }
0x74: {  	_ =	shalt  }
0x75: {  	_ =	shalt  }
0x76: {  	_ =	shalt  }
0x77: {  	_ =	shalt  }
0x78: {  	_ =	shalt  }
0x79: {  	_ =	shalt  }
0x7a: {  	_ =	shalt  }
0x7b: {  	_ =	shalt  }
0x7c: {  	_ =	shalt  }
0x7d: {  	_ =	shalt  }
0x7e: {  	_ =	shalt  }
0x7f: {  	_ =	shalt  }
0x80: {  	_ =	shalt  }
0x81: {  	_ =	shalt  }
0x82: {  	_ =	shalt  }
0x83: {  	_ =	shalt  }
0x84: {  	_ =	shalt  }
0x85: {  	_ =	shalt  }
0x86: {  	_ =	shalt  }
0x87: {  	_ =	shalt  }
.Lfunc_end0:
.L_simem_size_0:
called_computation.1_lowered:
.L_overlay_start_0:
0x88: {  	s2 =	sld [smem:$0x3FD9]  }
0x89: {  	s3 =	sld [smem:$0x3FFE];
	_ =	sdelay $0x1  }
0x8a: {  	s1 =	srdreg.scid  }
0x8b: {  	s0 =	sand.u32 $0x1, s1  }
0x8c: {  	s16 =	sshll.u32 s0, $0xA;
	s2 =	sadd.s32 s3, s2  }
0x8d: {  	s2 =	sadd.s32 s2, s16  }
0x8e: {  	[smem:$0x3FBC] =	sst s2  }
0x8f: {  	_ = 	snop  }
0x90: {  	(tm) =	ssettm $0x1  }
0x91: {  	s17 =	sld [smem:$0x3FFB];
	_ =	sdelay $0x3  }
0x92: {  	_ =	strace s17  }
0x93: {  	s2 =	sld [smem:$0x3FFC];
	_ =	sdelay $0x3  }
0x94: {  	_ =	strace s2  }
0x95: {  	s2 =	sld [smem:$0x3FFD];
	_ =	sdelay $0x3  }
0x96: {  	_ =	strace s2  }
0x97: {  	_ =	strace $0x8FFFFFFF  }
0x98: {  	s18 =	sld [smem:$0x3FDB];
	_ =	sdelay $0x1  }
0x99: {  	s19 =	simm.s32 $_scs_section_size  }
0x9a: {  	s4 =	simm.s32 $_size__tile_overlayer_lowered;
	s5 =	simm.s32 $_tile_overlayer_lowered  }
0x9b: {  	s22 =	simm.s32 $0x1BFF;
	s21 =	sshll.u32 s5, $0x1;
	s2 =	sadd.s32 s19, s18  }
0x9c: {  	s6 =	simm.s32 $0x0;
	s20 =	sshll.u32 s4, $0x1;
	s4 =	sadd.s32 s21, s2  }
0x9d: {  	[timem:s6], [sflag:s22] =	dma.local [hbm:s4], s20  }
0x9e: {  	_ =	swait.ge [sflag:s22], s20  }
0x9f: {  	s3 =	ssub.s32 $0x0, s20;
	[sflag:s22] =	ssyncset.done $0x0  }
0xa0: {  	[sflag:s22] =	ssyncadd.s32 s3;
	_ =	sdelay $0x1  }
0xa1: {  	s23 =	simm.s32 $0x1B8B  }
0xa2: {  	_ =	swait.ge [sflag:s23], $0x1  }
0xa3: {  	[sflag:s23] =	ssyncset.done $0x0  }
0xa4: {  	s25 =	simm.s32 $0x1B8E;
	s24 =	sld [smem:$0x3FFE];
	[sflag:s23] =	ssyncadd.s32 $0xFFFFFFFF  }
0xa5: {  	s26 =	simm.s32 $execute0_lowered;
	[smem:$0x3FD2] =	sst s25  }
0xa6: {  	s4 =	sshll.u32 s26, $0x1;
	_ =	strace $0x80000049;
	[dreg:$0x1] =	wrdreg $0xFFFFFFFF  }
0xa7: {  	s28 =	simm.s32 $_size_execute0_lowered;
	s2 =	sadd.s32 s2, s4;
	[dreg:$0x0] =	wrdreg $0x0  }
0xa8: {  	s4 =	sshll.u32 s28, $0x1;
	[dreg:$0x2] =	wrdreg s2  }
0xa9: {  	[dreg:$0x3] =	wrdreg s4  }
0xaa: {  	[dreg:$0x4] =	wrdreg $0xC0  }
0xab: {  	_ =	task [dreg:s6], $0x5FFFF  }
0xac: {  	[dreg:$0x1] =	wrdreg $0xFFFFFFFF  }
0xad: {  	[dreg:$0x0] =	wrdreg $0x60  }
0xae: {  	[dreg:$0x2] =	wrdreg s24  }
0xaf: {  	[dreg:$0x3] =	wrdreg $0x41000  }
0xb0: {  	[dreg:$0x4] =	wrdreg $0x9  }
0xb1: {  	_ =	task.clear_ibuf [dreg:s6], $0x5FFFF;
	_ =	strace $0x90000049  }
0xb2: {  	s29 =	simm.s32 $0x9;
	_ =	strace $0x8000004B  }
0xb3: {  	_ =	swait.ge [sflag:s29], $0x1  }
0xb4: {  	[sflag:s29] =	ssyncadd.s32 $0xFFFFFFFF  }
0xb5: {  	_ =	strace $0x9000004B  }
0xb6: {  	_ =	sfence  }
0xb7: {  	s30 =	sld [smem:$0x0];
	_ =	sdelay $0x2  }
0xb8: {  	s31 =	sshll.u32 s1, $0xD;
	s1 =	sshrl.u32 s1, $0x2  }
0xb9: {  	s3 =	sand.u32 $0x4000, s31;
	s1 =	sadd.s32 s1, s30  }
0xba: {  	s0 =	sor.u32 s3, s0;
	s1 =	sshll.u32 s1, $0x11  }
0xbb: {  	s0 =	sor.u32 s1, s0  }
0xbc: {  	s0 =	sadd.s32 $0x8F2B, s0  }
0xbd: {  	[sflag:s0] =	ssyncadd.remote.s32 $0x1  }
0xbe: {  	_ =	sfence.sel $0xFFFF  }
0xbf: {  	[dreg:$0x0] =	wrdreg $0xFFFFFFFF;
	(pc) =	sbr.abs _section_cstart, $3  }
0xc0: {  	[dreg:$0x1] =	wrdreg $0xFFFFFFFF  }
0xc1: {  	_ =	task.clear_ibuf [dreg:s6], $0x2FFFF;
	_ =	strace $0x9FFFFFFF  }
0xc2: {  	(tm) =	ssettm $0x7FFFFFFF  }
0xc3: {  	_ =	shalt  }
tec
execute0_lowered:
.L_overlay_start_1:
0x0: {  	(tag) =	ssettag $0x1  }
0x1: {  	s6 =	rddreg [dreg:$0x0]  }
0x2: {  	s2 =	rddreg [dreg:$0x1]  }
0x3: {  	s0 =	rddreg [dreg:$0x2];
	s3 =	simm.s32 $0x0  }
0x4: {  	s1 =	stileid.u32;
	s7 =	srdreg.scid;
	s17 =	simm.s32 $0x1  }
0x5: {  	s18 =	simm.s32 $0x0;
	[smem:$0x7FF] =	sst s3;
	s5 =	smul.u32 $0x500, s1  }
0x6: {  	s4 =	sadd.s32 $0x10B200, s6;
	s12 =	sadd.s32 $0x5AE00, s6;
	s8 =	smul.u32 $0x2800, s1  }
0x7: {  	s7 =	sand.u32 $0x1, s7;
	s9 =	smul.u32 $0x280, s1;
	s11 =	sadd.s32 $0x1A7600, s6  }
0x8: {  	s13 =	smul.u32 $0x50000, s1;
	s25 =	sshll.u32 s1, $0x6;
	_ =	strace $0x8000004A  }
0x9: {  	s21 =	ssub.s32 $0x2, s7;
	s15 =	smul.u32 $0x5000, s7;
	s16 =	sshllo.u32 s7, $0x1  }
0xa: {  	s7 =	smul.u32 $0x50000, s7;
	s10 =	sadd.s32 s5, s6;
	s5 =	sadd.s32 $0x7E00, s6  }
0xb: {  	s14 =	sshrl.u32 s21, $0x1;
	s22 =	sshrl.u32 s13, $0x2;
	s23 =	smul.u32 $0x2800, s16  }
0xc: {  	s6 =	sor.u32 $0x1C02, s25;
	s16 =	simm.s32 $0x100;
	s14 =	ssub.s32 s21, s14  }
0xd: {  	s24 =	sadd.s32 s22, s2;
	s15 =	sadd.s32 s9, s15;
	s28 =	sadd.s32 s8, s7  }
0xe: {  	s10 =	sadd.s32 $0x2E00, s10;
	s9 =	sadd.s32 s9, s23;
	s26 =	sshll.u32 s15, $0x4  }
0xf: {  	s29 =	sadd.s32 $0x28000, s28;
	s30 =	sshrl.u32 s28, $0x3;
	s13 =	sshrl.u32 s24, $0x3  }
0x10: {  	s15 =	simm.s32 $0x80;
	s9 =	sshll.u32 s9, $0x4;
	s7 =	sadd.s32 s11, s26  }
0x11: {  	s31 =	sshrl.u32 s29, $0x3;
	s8 =	sadd.s32 s11, s9;
	s9 =	smax.u32 s14, $0x1  }
0x12: {  	s11 =	sadd.s32 s30, s12;
	s12 =	sadd.s32 s31, s12;
	s14 =	simm.s32 $0x2  }
.LBB2_1:
0x13: {  	[spmem:s13], [sflag:s6] =	dma.local [hbm:s5], $0x2800  }
0x14: {  	_ =	swait.ge [sflag:s14], $0x2800  }
0x15: {  	[sflag:s14] =	ssyncset.done $0x0  }
0x16: {  	[sflag:s14] =	ssyncadd.s32 $0xFFFFD800  }
0x17: {  	s19 =	sadd.s32 $0x0, s11;
	[bflag:$0x0] =	sbarrier.arrive $0xFFFF  }
0x18: {  	[tilespmem:s3], [sflag:$0x2] =	stream.linear.gather [hbm4b:s19+s3], $0x80, $0x38;
	[tilespmem:$0x18100] =	vst v63  }
0x19: {  	_ =	swait.ge [sflag:s14], $0x80  }
0x1a: {  	[sflag:s14] =	ssyncset.done $0x0  }
0x1b: {  	s31 =	sadd.s32 $0x0, s10;
	[sflag:s14] =	ssyncadd.s32 $0xFFFFFF80  }
0x1c: {  	[tilespmem:s15], [sflag:$0x2] =	stream.linear.gather [hbm4b:s31+s3], $0x80, $0x38;
	[tilespmem:$0x18100] =	vst v63  }
0x1d: {  	_ =	swait.ge [sflag:s14], $0x80  }
0x1e: {  	[sflag:s14] =	ssyncset.done $0x0  }
0x1f: {  	[sflag:s14] =	ssyncadd.s32 $0xFFFFFF80  }
0x20: {  	[tilespmem:s16], [sflag:$0x1] =	stream.indirect.gather [hbm4b:s4+s15], $0x80, s3, s15, $0xb8;
	[tilespmem:$0x18100] =	vst v63  }
0x21: {  	_ =	swait.ge [sflag:s17], $0x4000  }
0x22: {  	[sflag:s17] =	ssyncset.done $0x0  }
0x23: {  	[sflag:s17] =	ssyncadd.s32 $0xFFFFC000  }
0x24: {  	[spmem:s2] =	stream.indirect.scatter.add.f32 [tilespmem:s16], [sflag:$0x2], $0x80, s15, s15, $0xb8;
	[tilespmem:$0x18100] =	vst v63  }
0x25: {  	_ =	swait.ge [sflag:s14], $0x4000  }
0x26: {  	s20 =	simm.s32 $0x20;
	s19 =	simm.s32 $0x10;
	[sflag:s14] =	ssyncset.done $0x0  }
.LBB2_2:
0x27: {  	s21 =	sadd.s32 s19, s11  }
0x28: {  	[sflag:s14] =	ssyncadd.s32 $0xFFFFC000;
	s22 =	smov.u32 s20;
	s23 =	sadd.s32 $0x10, s20  }
0x29: {  	[tilespmem:s3], [sflag:$0x2] =	stream.linear.gather [hbm4b:s21+s3], $0x80, $0x38;
	[tilespmem:$0x18100] =	vst v63  }
0x2a: {  	p0 =	sne.s32 s20, $0x4F0;
	_ =	swait.ge [sflag:s14], $0x80  }
0x2b: {  	[sflag:s14] =	ssyncset.done $0x0  }
0x2c: {  	s20 =	sadd.s32 s19, s10;
	s19 =	smov.u32 s22;
	[sflag:s14] =	ssyncadd.s32 $0xFFFFFF80  }
0x2d: {  	[tilespmem:s15], [sflag:$0x2] =	stream.linear.gather [hbm4b:s20+s3], $0x80, $0x38;
	[tilespmem:$0x18100] =	vst v63  }
0x2e: {  	_ =	swait.ge [sflag:s14], $0x80  }
0x2f: {  	[sflag:s14] =	ssyncset.done $0x0  }
0x30: {  	[sflag:s14] =	ssyncadd.s32 $0xFFFFFF80  }
0x31: {  	[tilespmem:s16], [sflag:$0x1] =	stream.indirect.gather [hbm4b:s4+s15], $0x80, s3, s15, $0xb8;
	[tilespmem:$0x18100] =	vst v63  }
0x32: {  	_ =	swait.ge [sflag:s17], $0x4000  }
.Ltmp0:
0x33: {  	[sflag:s17] =	ssyncset.done $0x0;
	(pc) =	sbr.rel @p0 .LBB2_2-.Ltmp0, $4  }
0x34: {  	[sflag:s17] =	ssyncadd.s32 $0xFFFFC000  }
0x35: {  	[spmem:s2] =	stream.indirect.scatter.add.f32 [tilespmem:s16], [sflag:$0x2], $0x80, s15, s15, $0xb8;
	[tilespmem:$0x18100] =	vst v63  }
0x36: {  	_ =	swait.ge [sflag:s14], $0x4000  }
0x37: {  	s20 =	smov.u32 s23;
	[sflag:s14] =	ssyncset.done $0x0  }
0x38: {  	s20 =	sadd.s32 s19, s11;
	[sflag:s14] =	ssyncadd.s32 $0xFFFFC000  }
0x39: {  	[tilespmem:s3], [sflag:$0x2] =	stream.linear.gather [hbm4b:s20+s3], $0x80, $0x38;
	[tilespmem:$0x18100] =	vst v63  }
0x3a: {  	_ =	swait.ge [sflag:s14], $0x80  }
0x3b: {  	[sflag:s14] =	ssyncset.done $0x0  }
0x3c: {  	s29 =	sadd.s32 s19, s10;
	[sflag:s14] =	ssyncadd.s32 $0xFFFFFF80  }
0x3d: {  	[tilespmem:s15], [sflag:$0x2] =	stream.linear.gather [hbm4b:s29+s3], $0x80, $0x38;
	[tilespmem:$0x18100] =	vst v63  }
0x3e: {  	_ =	swait.ge [sflag:s14], $0x80  }
0x3f: {  	[sflag:s14] =	ssyncset.done $0x0  }
0x40: {  	[sflag:s14] =	ssyncadd.s32 $0xFFFFFF80  }
0x41: {  	[tilespmem:s16], [sflag:$0x1] =	stream.indirect.gather [hbm4b:s4+s15], $0x80, s3, s15, $0xb8;
	[tilespmem:$0x18100] =	vst v63  }
0x42: {  	_ =	swait.ge [sflag:s17], $0x4000  }
0x43: {  	[sflag:s17] =	ssyncset.done $0x0  }
0x44: {  	[sflag:s17] =	ssyncadd.s32 $0xFFFFC000  }
0x45: {  	[spmem:s2] =	stream.indirect.scatter.add.f32 [tilespmem:s16], [sflag:$0x2], $0x80, s15, s15, $0xb8;
	[tilespmem:$0x18100] =	vst v63  }
0x46: {  	_ =	swait.ge [sflag:s14], $0x4000  }
0x47: {  	[sflag:s14] =	ssyncset.done $0x0  }
0x48: {  	[sflag:s14] =	ssyncadd.s32 $0xFFFFC000  }
0x49: {  	[bflag:$0x0] =	sbarrier.arrive $0xFFFF  }
0x4a: {  	[hbm:s7], [sflag:s6] =	dma.local [spmem:s13], $0x2800  }
0x4b: {  	_ =	swait.ge [sflag:s14], $0x2800  }
0x4c: {  	[sflag:s14] =	ssyncset.done $0x0  }
0x4d: {  	[sflag:s14] =	ssyncadd.s32 $0xFFFFD800  }
0x4e: {  	[spmem:s13], [sflag:s6] =	dma.local [hbm:s5], $0x2800  }
0x4f: {  	_ =	swait.ge [sflag:s14], $0x2800  }
0x50: {  	[sflag:s14] =	ssyncset.done $0x0  }
0x51: {  	[sflag:s14] =	ssyncadd.s32 $0xFFFFD800  }
0x52: {  	s30 =	sadd.s32 $0x0, s12;
	[bflag:$0x0] =	sbarrier.arrive $0xFFFF  }
0x53: {  	[tilespmem:s3], [sflag:$0x2] =	stream.linear.gather [hbm4b:s30+s3], $0x80, $0x38;
	[tilespmem:$0x18100] =	vst v63  }
0x54: {  	_ =	swait.ge [sflag:s14], $0x80  }
0x55: {  	[sflag:s14] =	ssyncset.done $0x0  }
0x56: {  	s31 =	sadd.s32 $0x0, s10;
	[sflag:s14] =	ssyncadd.s32 $0xFFFFFF80  }
0x57: {  	[tilespmem:s15], [sflag:$0x2] =	stream.linear.gather [hbm4b:s31+s3], $0x80, $0x38;
	[tilespmem:$0x18100] =	vst v63  }
0x58: {  	_ =	swait.ge [sflag:s14], $0x80  }
0x59: {  	[sflag:s14] =	ssyncset.done $0x0  }
0x5a: {  	[sflag:s14] =	ssyncadd.s32 $0xFFFFFF80  }
0x5b: {  	[tilespmem:s16], [sflag:$0x1] =	stream.indirect.gather [hbm4b:s4+s15], $0x80, s3, s15, $0xb8;
	[tilespmem:$0x18100] =	vst v63  }
0x5c: {  	_ =	swait.ge [sflag:s17], $0x4000  }
0x5d: {  	[sflag:s17] =	ssyncset.done $0x0  }
0x5e: {  	[sflag:s17] =	ssyncadd.s32 $0xFFFFC000  }
0x5f: {  	[spmem:s2] =	stream.indirect.scatter.add.f32 [tilespmem:s16], [sflag:$0x2], $0x80, s15, s15, $0xb8;
	[tilespmem:$0x18100] =	vst v63  }
0x60: {  	_ =	swait.ge [sflag:s14], $0x4000  }
0x61: {  	s19 =	simm.s32 $0x10;
	s20 =	simm.s32 $0x20;
	[sflag:s14] =	ssyncset.done $0x0  }
.LBB2_4:
0x62: {  	s21 =	sadd.s32 s19, s12  }
0x63: {  	[sflag:s14] =	ssyncadd.s32 $0xFFFFC000;
	s22 =	smov.u32 s20;
	s23 =	sadd.s32 $0x10, s20  }
0x64: {  	[tilespmem:s3], [sflag:$0x2] =	stream.linear.gather [hbm4b:s21+s3], $0x80, $0x38;
	[tilespmem:$0x18100] =	vst v63  }
0x65: {  	p0 =	sne.s32 s20, $0x4F0;
	_ =	swait.ge [sflag:s14], $0x80  }
0x66: {  	[sflag:s14] =	ssyncset.done $0x0  }
0x67: {  	s20 =	sadd.s32 s19, s10;
	s19 =	smov.u32 s22;
	[sflag:s14] =	ssyncadd.s32 $0xFFFFFF80  }
0x68: {  	[tilespmem:s15], [sflag:$0x2] =	stream.linear.gather [hbm4b:s20+s3], $0x80, $0x38;
	[tilespmem:$0x18100] =	vst v63  }
0x69: {  	_ =	swait.ge [sflag:s14], $0x80  }
0x6a: {  	[sflag:s14] =	ssyncset.done $0x0  }
0x6b: {  	[sflag:s14] =	ssyncadd.s32 $0xFFFFFF80  }
0x6c: {  	[tilespmem:s16], [sflag:$0x1] =	stream.indirect.gather [hbm4b:s4+s15], $0x80, s3, s15, $0xb8;
	[tilespmem:$0x18100] =	vst v63  }
0x6d: {  	_ =	swait.ge [sflag:s17], $0x4000  }
.Ltmp1:
0x6e: {  	[sflag:s17] =	ssyncset.done $0x0;
	(pc) =	sbr.rel @p0 .LBB2_4-.Ltmp1, $4  }
0x6f: {  	[sflag:s17] =	ssyncadd.s32 $0xFFFFC000  }
0x70: {  	[spmem:s2] =	stream.indirect.scatter.add.f32 [tilespmem:s16], [sflag:$0x2], $0x80, s15, s15, $0xb8;
	[tilespmem:$0x18100] =	vst v63  }
0x71: {  	_ =	swait.ge [sflag:s14], $0x4000  }
0x72: {  	s20 =	smov.u32 s23;
	[sflag:s14] =	ssyncset.done $0x0  }
0x73: {  	s20 =	sadd.s32 s19, s12;
	[sflag:s14] =	ssyncadd.s32 $0xFFFFC000  }
0x74: {  	[tilespmem:s3], [sflag:$0x2] =	stream.linear.gather [hbm4b:s20+s3], $0x80, $0x38;
	[tilespmem:$0x18100] =	vst v63  }
0x75: {  	_ =	swait.ge [sflag:s14], $0x80  }
0x76: {  	[sflag:s14] =	ssyncset.done $0x0  }
0x77: {  	s31 =	sadd.s32 s19, s10;
	[sflag:s14] =	ssyncadd.s32 $0xFFFFFF80  }
0x78: {  	[tilespmem:s15], [sflag:$0x2] =	stream.linear.gather [hbm4b:s31+s3], $0x80, $0x38;
	[tilespmem:$0x18100] =	vst v63  }
0x79: {  	_ =	swait.ge [sflag:s14], $0x80  }
0x7a: {  	[sflag:s14] =	ssyncset.done $0x0  }
0x7b: {  	[sflag:s14] =	ssyncadd.s32 $0xFFFFFF80  }
0x7c: {  	[tilespmem:s16], [sflag:$0x1] =	stream.indirect.gather [hbm4b:s4+s15], $0x80, s3, s15, $0xb8;
	[tilespmem:$0x18100] =	vst v63  }
0x7d: {  	_ =	swait.ge [sflag:s17], $0x4000  }
0x7e: {  	[sflag:s17] =	ssyncset.done $0x0  }
0x7f: {  	[sflag:s17] =	ssyncadd.s32 $0xFFFFC000  }
0x80: {  	[spmem:s2] =	stream.indirect.scatter.add.f32 [tilespmem:s16], [sflag:$0x2], $0x80, s15, s15, $0xb8;
	[tilespmem:$0x18100] =	vst v63  }
0x81: {  	_ =	swait.ge [sflag:s14], $0x4000  }
0x82: {  	s18 =	sadd.s32 $0x1, s18;
	[sflag:s14] =	ssyncset.done $0x0  }
0x83: {  	p0 =	sne.s32 s18, s9;
	[sflag:s14] =	ssyncadd.s32 $0xFFFFC000  }
.Ltmp2:
0x84: {  	[bflag:$0x0] =	sbarrier.arrive $0xFFFF;
	(pc) =	sbr.rel @p0 .LBB2_1-.Ltmp2, $4  }
0x85: {  	[hbm:s8], [sflag:s6] =	dma.local [spmem:s13], $0x2800  }
0x86: {  	_ =	swait.ge [sflag:s14], $0x2800  }
0x87: {  	[sflag:s14] =	ssyncset.done $0x0  }
0x88: {  	[sflag:s14] =	ssyncadd.s32 $0xFFFFD800  }
0x89: {  	_ =	sfence.sel $0x180000  }
0x8a: {  	[bflag:$0x0] =	sbarrier.arrive $0xFFFF  }
0x8b: {  	p0 =	sne.s32 s1, $0x0;
	_ =	strace $0x9000004A  }
0x8c: {  	s0 =	sadd.s32 @!p0 $0x100000, s0;
	[bflag:$0x2] =	sbarrier.arrive $0xFFFF  }
0x8d: {  	[sflag:s0] =	ssyncadd.tile.s32 @!p0 $0x1;
	_ =	shalt  }
.Lfunc_end2:
_tile_overlayer_lowered:
.L_overlay_start_2:
0x8e: {  	(tag) =	ssettag $0x2  }
0x8f: {  	s0 =	rddreg [dreg:$0x0];
	s2 =	stileid.u32  }
0x90: {  	s1 =	rddreg [dreg:$0x1];
	p0 =	sne.s32 s2, $0x0  }
0x91: {  	s3 =	rddreg [dreg:$0x2];
	[bflag:$0x3] =	sbarrier.arrive $0xFFFF;
	s2 =	simm.s32 @!p0 $0x1C02  }
0x92: {  	[timem:s3], [sflag:s2] =	dma.local @!p0 [hbm:s0], s1  }
0x93: {  	s0 =	simm.s32 @!p0 $0x2  }
0x94: {  	_ =	swait.ge @!p0 [sflag:s0], s1  }
0x95: {  	s1 =	ssub.s32 @!p0 $0x0, s1;
	[sflag:s0] =	ssyncset.done @!p0 $0x0  }
0x96: {  	[sflag:s0] =	ssyncadd.s32 @!p0 s1  }
0x97: {  	[bflag:$0x3] =	sbarrier.arrive $0xFFFF  }
0x98: {  	_ =	shalt  }

// kernel: kernel.7.cloned.1.call-start
scs
__scs_entry_jumppad:
0x0: {  	(pc) =	sbr.rel $0x88, $3  }
0x1: {  	(tag) =	ssettag $0x0;
	lr =	simm.s32 $0x1  }
0x2: {  	[smem:$0x3F95] =	sst lr;
	_ =	strace $0xD0000000  }
0x3: {  	_ = 	snop  }
0x4: {  	_ = 	snop  }
0x5: {  	_ = 	snop  }
0x6: {  	_ = 	snop  }
0x7: {  	_ = 	snop  }
__scs_overlays_trampoline_lowered:
0x8: {  	[smem:$0x3FA4] =	sst s0  }
0x9: {  	[smem:$0x3FA5] =	sst s1  }
0xa: {  	[smem:$0x3FA6] =	sst s2  }
0xb: {  	[smem:$0x3FA7] =	sst s3  }
0xc: {  	[smem:$0x3FA8] =	sst s4  }
0xd: {  	[smem:$0x3FA9] =	sst s5  }
0xe: {  	[smem:$0x3FAA] =	sst s6  }
0xf: {  	[smem:$0x3FAB] =	sst s7  }
0x10: {  	[smem:$0x3FAC] =	sst s8  }
0x11: {  	[smem:$0x3FAD] =	sst s9;
	s0 =	simm.s32 @!p0 $0x0  }
0x12: {  	s1 =	sld [smem:$0x3F93];
	s0 =	simm.s32 @p0 $0x1  }
0x13: {  	[smem:$0x3FAE] =	sst s0;
	s0 =	simm.s32 @!p1 $0x0  }
0x14: {  	s2 =	sld [smem:$0x3F92];
	s0 =	simm.s32 @p1 $0x1  }
0x15: {  	[smem:$0x3FAF] =	sst s0;
	s0 =	simm.s32 @!p2 $0x0  }
0x16: {  	s3 =	sld [smem:$0x3FDB];
	s0 =	simm.s32 @p2 $0x1  }
0x17: {  	s4 =	simm.s32 $0x1BF5;
	[smem:$0x3FB1] =	sst s0  }
0x18: {  	s0 =	sld [smem:$0x3F94];
	_ =	swait.ge [sflag:s4], $0x0  }
0x19: {  	s7 =	sld [smem:$0x3F95]  }
0x1a: {  	s8 =	sadd.s32 $0xFFFFE003, lr  }
0x1b: {  	s9 =	sadd.s32 $0xFFFFFEF7, lr;
	s5 =	simm.s32 $0xFFFFFFFF;
	p2 =	slt.u32 s8, $0xFFFFF086  }
0x1c: {  	p1 =	slt.u32 s9, $0xF7A;
	s5 =	simm.s32 @!p2 $0x0  }
0x1d: {  	s5 =	simm.s32 @p1 $0x1;
	p0 =	seq.s32 s7, s2  }
0x1e: {  	s7 =	smul.u32 @!p0 $0xF7A, s2;
	p2 =	seq.s32 @!p0 s5, $0x0  }
0x1f: {  	s9 =	smul.u32 $0xF7A, s1;
	s8 =	simm.s32 @!p0 $0x1BF5;
	p2 =	por !p2, p0  }
0x20: {  	[sflag:s8] =	ssyncset.s32 @!p0 $0xFFFFF086;
	s6 =	sadd.s32 @!p0 s3, s7;
	s7 =	simm.s32 @!p0 $0x108  }
0x21: {  	s3 =	sadd.s32 s3, s9;
	s6 =	sadd.s32 @!p0 $0x88, s6;
	s7 =	simm.s32 @p2 $0x1082  }
0x22: {  	[simem:s7], [sflag:s8] =	dma.local @!p0 [hbm:s6], $0xF7A  }
0x23: {  	s9 =	sor.u32 $0xD0000000, s2;
	s6 =	simm.s32 $0x108;
	_ =	swait.ge @!p0 [sflag:s8], $0x0  }
0x24: {  	s3 =	sadd.s32 $0x88, s3;
	s6 =	simm.s32 @!p1 $0x1082;
	[sflag:s4] =	ssyncset.s32 $0xFFFFF086  }
0x25: {  	[simem:s6], [sflag:s4] =	dma.local [hbm:s3], $0xF7A  }
0x26: {  	[smem:$0x3F95] =	sst s1;
	(tag) =	ssettag s2;
	_ =	strace s9  }
0x27: {  	s1 =	sld [smem:$0x3FA5]  }
0x28: {  	s2 =	sld [smem:$0x3FA6]  }
0x29: {  	s4 =	sld [smem:$0x3FA8]  }
0x2a: {  	p0 =	seq.s32 s5, $0x0;
	s5 =	sld [smem:$0x3FA9]  }
0x2b: {  	s6 =	sld [smem:$0x3FAA]  }
0x2c: {  	s7 =	sld [smem:$0x3FAB]  }
0x2d: {  	s3 =	simm.s32 $0x108;
	s8 =	sld [smem:$0x3FAC]  }
0x2e: {  	s3 =	simm.s32 @!p0 $0x1082;
	s9 =	sld [smem:$0x3FAD]  }
0x2f: {  	lr =	sadd.s32 s0, s3;
	s0 =	sld [smem:$0x3FA4]  }
0x30: {  	s3 =	sld [smem:$0x3FA7]  }
0x31: {  	[smem:$0x3FB0] =	sst s10  }
0x32: {  	s10 =	sld [smem:$0x3FAE];
	_ =	sdelay $0x3  }
0x33: {  	p0 =	seq.s32 s10, $0x1;
	s10 =	sld [smem:$0x3FB0];
	_ =	sdelay $0x3  }
0x34: {  	[smem:$0x3FB0] =	sst s10  }
0x35: {  	s10 =	sld [smem:$0x3FAF];
	_ =	sdelay $0x3  }
0x36: {  	p1 =	seq.s32 s10, $0x1;
	s10 =	sld [smem:$0x3FB0];
	_ =	sdelay $0x3  }
0x37: {  	[smem:$0x3FB0] =	sst s10  }
0x38: {  	s10 =	sld [smem:$0x3FB1]  }
0x39: {  	_ = 	snop;
	(pc) =	sbr.ind lr, $3  }
0x3a: {  	_ = 	snop  }
0x3b: {  	_ = 	snop  }
0x3c: {  	p2 =	seq.s32 s10, $0x1;
	s10 =	sld [smem:$0x3FB0]  }
0x3d: {  	_ =	shalt  }
0x3e: {  	_ =	shalt  }
0x3f: {  	_ =	shalt  }
0x40: {  	_ =	shalt  }
0x41: {  	_ =	shalt  }
0x42: {  	_ =	shalt  }
0x43: {  	_ =	shalt  }
0x44: {  	_ =	shalt  }
0x45: {  	_ =	shalt  }
0x46: {  	_ =	shalt  }
0x47: {  	_ =	shalt  }
0x48: {  	_ =	shalt  }
0x49: {  	_ =	shalt  }
0x4a: {  	_ =	shalt  }
0x4b: {  	_ =	shalt  }
0x4c: {  	_ =	shalt  }
0x4d: {  	_ =	shalt  }
0x4e: {  	_ =	shalt  }
0x4f: {  	_ =	shalt  }
0x50: {  	_ =	shalt  }
0x51: {  	_ =	shalt  }
0x52: {  	_ =	shalt  }
0x53: {  	_ =	shalt  }
0x54: {  	_ =	shalt  }
0x55: {  	_ =	shalt  }
0x56: {  	_ =	shalt  }
0x57: {  	_ =	shalt  }
0x58: {  	_ =	shalt  }
0x59: {  	_ =	shalt  }
0x5a: {  	_ =	shalt  }
0x5b: {  	_ =	shalt  }
0x5c: {  	_ =	shalt  }
0x5d: {  	_ =	shalt  }
0x5e: {  	_ =	shalt  }
0x5f: {  	_ =	shalt  }
0x60: {  	_ =	shalt  }
0x61: {  	_ =	shalt  }
0x62: {  	_ =	shalt  }
0x63: {  	_ =	shalt  }
0x64: {  	_ =	shalt  }
0x65: {  	_ =	shalt  }
0x66: {  	_ =	shalt  }
0x67: {  	_ =	shalt  }
0x68: {  	_ =	shalt  }
0x69: {  	_ =	shalt  }
0x6a: {  	_ =	shalt  }
0x6b: {  	_ =	shalt  }
0x6c: {  	_ =	shalt  }
0x6d: {  	_ =	shalt  }
0x6e: {  	_ =	shalt  }
0x6f: {  	_ =	shalt  }
0x70: {  	_ =	shalt  }
0x71: {  	_ =	shalt  }
0x72: {  	_ =	shalt  }
0x73: {  	_ =	shalt  }
0x74: {  	_ =	shalt  }
0x75: {  	_ =	shalt  }
0x76: {  	_ =	shalt  }
0x77: {  	_ =	shalt  }
0x78: {  	_ =	shalt  }
0x79: {  	_ =	shalt  }
0x7a: {  	_ =	shalt  }
0x7b: {  	_ =	shalt  }
0x7c: {  	_ =	shalt  }
0x7d: {  	_ =	shalt  }
0x7e: {  	_ =	shalt  }
0x7f: {  	_ =	shalt  }
0x80: {  	_ =	shalt  }
0x81: {  	_ =	shalt  }
0x82: {  	_ =	shalt  }
0x83: {  	_ =	shalt  }
0x84: {  	_ =	shalt  }
0x85: {  	_ =	shalt  }
0x86: {  	_ =	shalt  }
0x87: {  	_ =	shalt  }
.Lfunc_end0:
.L_simem_size_0:
called_computation_lowered:
.L_overlay_start_0:
0x88: {  	s2 =	sld [smem:$0x3FD9]  }
0x89: {  	s3 =	sld [smem:$0x3FFE];
	_ =	sdelay $0x1  }
0x8a: {  	s1 =	srdreg.scid  }
0x8b: {  	s0 =	sand.u32 $0x1, s1  }
0x8c: {  	s16 =	sshll.u32 s0, $0xA;
	s2 =	sadd.s32 s3, s2  }
0x8d: {  	s2 =	sadd.s32 s2, s16  }
0x8e: {  	[smem:$0x3FBC] =	sst s2  }
0x8f: {  	_ = 	snop  }
0x90: {  	(tm) =	ssettm $0x1  }
0x91: {  	s17 =	sld [smem:$0x3FFB];
	_ =	sdelay $0x3  }
0x92: {  	_ =	strace s17  }
0x93: {  	s2 =	sld [smem:$0x3FFC];
	_ =	sdelay $0x3  }
0x94: {  	_ =	strace s2  }
0x95: {  	s2 =	sld [smem:$0x3FFD];
	_ =	sdelay $0x3  }
0x96: {  	_ =	strace s2  }
0x97: {  	_ =	strace $0x8FFFFFFF  }
0x98: {  	s18 =	sld [smem:$0x3FDB];
	_ =	sdelay $0x1  }
0x99: {  	s19 =	simm.s32 $_scs_section_size  }
0x9a: {  	s4 =	simm.s32 $_size__tile_overlayer_lowered;
	s5 =	simm.s32 $_tile_overlayer_lowered  }
0x9b: {  	s22 =	simm.s32 $0x1BFF;
	s21 =	sshll.u32 s5, $0x1;
	s2 =	sadd.s32 s19, s18  }
0x9c: {  	s6 =	simm.s32 $0x0;
	s20 =	sshll.u32 s4, $0x1;
	s4 =	sadd.s32 s21, s2  }
0x9d: {  	[timem:s6], [sflag:s22] =	dma.local [hbm:s4], s20  }
0x9e: {  	_ =	swait.ge [sflag:s22], s20  }
0x9f: {  	s3 =	ssub.s32 $0x0, s20;
	[sflag:s22] =	ssyncset.done $0x0  }
0xa0: {  	[sflag:s22] =	ssyncadd.s32 s3;
	_ =	sdelay $0x1  }
0xa1: {  	s23 =	simm.s32 $0x1B8B  }
0xa2: {  	_ =	swait.ge [sflag:s23], $0x1  }
0xa3: {  	[sflag:s23] =	ssyncset.done $0x0  }
0xa4: {  	s25 =	simm.s32 $0x1B8E;
	s24 =	sld [smem:$0x3FFE];
	[sflag:s23] =	ssyncadd.s32 $0xFFFFFFFF  }
0xa5: {  	s26 =	simm.s32 $execute0_lowered;
	[smem:$0x3FD2] =	sst s25  }
0xa6: {  	s4 =	sshll.u32 s26, $0x1;
	_ =	strace $0x80000046;
	[dreg:$0x1] =	wrdreg $0xFFFFFFFF  }
0xa7: {  	s28 =	simm.s32 $_size_execute0_lowered;
	s2 =	sadd.s32 s2, s4;
	[dreg:$0x0] =	wrdreg $0x0  }
0xa8: {  	s4 =	sshll.u32 s28, $0x1;
	[dreg:$0x2] =	wrdreg s2  }
0xa9: {  	[dreg:$0x3] =	wrdreg s4  }
0xaa: {  	[dreg:$0x4] =	wrdreg $0xC0  }
0xab: {  	_ =	task [dreg:s6], $0x5FFFF  }
0xac: {  	[dreg:$0x1] =	wrdreg $0xFFFFFFFF  }
0xad: {  	[dreg:$0x0] =	wrdreg $0x60  }
0xae: {  	[dreg:$0x2] =	wrdreg s24  }
0xaf: {  	[dreg:$0x3] =	wrdreg $0x40800  }
0xb0: {  	[dreg:$0x4] =	wrdreg $0x9  }
0xb1: {  	_ =	task.clear_ibuf [dreg:s6], $0x5FFFF;
	_ =	strace $0x90000046  }
0xb2: {  	s29 =	simm.s32 $0x9;
	_ =	strace $0x80000048  }
0xb3: {  	_ =	swait.ge [sflag:s29], $0x1  }
0xb4: {  	[sflag:s29] =	ssyncadd.s32 $0xFFFFFFFF  }
0xb5: {  	_ =	strace $0x90000048  }
0xb6: {  	_ =	sfence  }
0xb7: {  	s30 =	sld [smem:$0x0];
	_ =	sdelay $0x2  }
0xb8: {  	s31 =	sshll.u32 s1, $0xD;
	s1 =	sshrl.u32 s1, $0x2  }
0xb9: {  	s3 =	sand.u32 $0x4000, s31;
	s1 =	sadd.s32 s1, s30  }
0xba: {  	s0 =	sor.u32 s3, s0;
	s1 =	sshll.u32 s1, $0x11  }
0xbb: {  	s0 =	sor.u32 s1, s0  }
0xbc: {  	s0 =	sadd.s32 $0x8F2B, s0  }
0xbd: {  	[sflag:s0] =	ssyncadd.remote.s32 $0x1  }
0xbe: {  	_ =	sfence.sel $0xFFFF  }
0xbf: {  	[dreg:$0x0] =	wrdreg $0xFFFFFFFF;
	(pc) =	sbr.abs _section_cstart, $3  }
0xc0: {  	[dreg:$0x1] =	wrdreg $0xFFFFFFFF  }
0xc1: {  	_ =	task.clear_ibuf [dreg:s6], $0x2FFFF;
	_ =	strace $0x9FFFFFFF  }
0xc2: {  	(tm) =	ssettm $0x7FFFFFFF  }
0xc3: {  	_ =	shalt  }
tec
execute0_lowered:
.L_overlay_start_1:
0x0: {  	(tag) =	ssettag $0x1  }
0x1: {  	s6 =	rddreg [dreg:$0x0];
	s1 =	stileid.u32  }
0x2: {  	s0 =	srdreg.scid;
	s5 =	smul.u32 $0x2800, s1  }
0x3: {  	s2 =	rddreg [dreg:$0x1];
	s3 =	simm.s32 $0x0;
	s10 =	smul.u32 $0x50000, s1  }
0x4: {  	s7 =	sand.u32 $0x1, s0;
	s0 =	rddreg [dreg:$0x2];
	s11 =	smul.u32 $0x280, s1  }
0x5: {  	s13 =	simm.s32 $0x0;
	[smem:$0x7FF] =	sst s3;
	s4 =	smul.u32 $0x2800, s7  }
0x6: {  	s31 =	sshll.u32 s1, $0x6;
	s8 =	smul.u32 $0x28000, s7;
	s30 =	ssub.s32 $0x2, s7  }
0x7: {  	_ =	strace $0x80000047;
	s7 =	sshrl.u32 s30, $0x1;
	s10 =	sshrl.u32 s10, $0x2  }
0x8: {  	s9 =	sadd.s32 s4, s6;
	s4 =	sadd.s32 $0xA600, s6;
	s8 =	sadd.s32 s5, s8  }
0x9: {  	s5 =	sadd.s32 $0x7E00, s6;
	s12 =	ssub.s32 s30, s7;
	s10 =	sadd.s32 s10, s2  }
0xa: {  	s8 =	sadd.s32 s8, s6;
	s6 =	sor.u32 $0x1C01, s31;
	s9 =	sadd.s32 s11, s9  }
0xb: {  	s10 =	sshrl.u32 s10, $0x3;
	s11 =	simm.s32 $0x1;
	s7 =	sadd.s32 $0xAE00, s8  }
0xc: {  	s8 =	smax.u32 s12, $0x1;
	s9 =	sadd.s32 $0x2E00, s9;
	s12 =	simm.s32 $0x80  }
.LBB2_1:
0xd: {  	[spmem:s10], [sflag:s6] =	dma.local [hbm:s5], $0x2800  }
0xe: {  	_ =	swait.ge [sflag:s11], $0x2800  }
0xf: {  	[sflag:s11] =	ssyncset.done $0x0  }
0x10: {  	[sflag:s11] =	ssyncadd.s32 $0xFFFFD800  }
0x11: {  	[tilespmem:s12], [sflag:$0x1] =	stream.linear.gather [hbm4b:s4+s3], $0x4000, $0x38;
	[tilespmem:$0x6880] =	vst v63  }
0x12: {  	_ =	swait.ge [sflag:s11], $0x4000  }
0x13: {  	[sflag:s11] =	ssyncset.done $0x0  }
0x14: {  	[sflag:s11] =	ssyncadd.s32 $0xFFFFC000  }
0x15: {  	s14 =	sadd.s32 $0x0, s9;
	[bflag:$0x0] =	sbarrier.arrive $0xFFFF  }
0x16: {  	[tilespmem:s3], [sflag:$0x1] =	stream.linear.gather [hbm4b:s14+s3], $0x80, $0x38;
	[tilespmem:$0x6880] =	vst v63  }
0x17: {  	_ =	swait.ge [sflag:s11], $0x80  }
0x18: {  	[sflag:s11] =	ssyncset.done $0x0  }
0x19: {  	[sflag:s11] =	ssyncadd.s32 $0xFFFFFF80  }
0x1a: {  	[spmem:s2] =	stream.indirect.scatter.add.f32 [tilespmem:s12], [sflag:$0x1], $0x10, s3, s12, $0xb8;
	[tilespmem:$0x6880] =	vst v63  }
0x1b: {  	_ =	swait.ge [sflag:s11], $0x800  }
0x1c: {  	s15 =	simm.s32 $0x20;
	s14 =	simm.s32 $0x10;
	[sflag:s11] =	ssyncset.done $0x0  }
.LBB2_2:
0x1d: {  	s16 =	sadd.s32 s14, s9  }
0x1e: {  	[sflag:s11] =	ssyncadd.s32 $0xFFFFF800;
	s14 =	smov.u32 s15;
	s17 =	sadd.s32 $0x10, s15  }
0x1f: {  	[tilespmem:s3], [sflag:$0x1] =	stream.linear.gather [hbm4b:s16+s3], $0x80, $0x38;
	[tilespmem:$0x6880] =	vst v63  }
0x20: {  	p0 =	sne.s32 s15, $0x270;
	_ =	swait.ge [sflag:s11], $0x80  }
.Ltmp0:
0x21: {  	[sflag:s11] =	ssyncset.done $0x0;
	(pc) =	sbr.rel @p0 .LBB2_2-.Ltmp0, $4  }
0x22: {  	[sflag:s11] =	ssyncadd.s32 $0xFFFFFF80  }
0x23: {  	[spmem:s2] =	stream.indirect.scatter.add.f32 [tilespmem:s12], [sflag:$0x1], $0x10, s3, s12, $0xb8;
	[tilespmem:$0x6880] =	vst v63  }
0x24: {  	_ =	swait.ge [sflag:s11], $0x800  }
0x25: {  	s15 =	smov.u32 s17;
	[sflag:s11] =	ssyncset.done $0x0  }
0x26: {  	s14 =	sadd.s32 s14, s9;
	[sflag:s11] =	ssyncadd.s32 $0xFFFFF800  }
0x27: {  	[tilespmem:s3], [sflag:$0x1] =	stream.linear.gather [hbm4b:s14+s3], $0x80, $0x38;
	[tilespmem:$0x6880] =	vst v63  }
0x28: {  	_ =	swait.ge [sflag:s11], $0x80  }
0x29: {  	[sflag:s11] =	ssyncset.done $0x0  }
0x2a: {  	[sflag:s11] =	ssyncadd.s32 $0xFFFFFF80  }
0x2b: {  	[spmem:s2] =	stream.indirect.scatter.add.f32 [tilespmem:s12], [sflag:$0x1], $0x10, s3, s12, $0xb8;
	[tilespmem:$0x6880] =	vst v63  }
0x2c: {  	_ =	swait.ge [sflag:s11], $0x800  }
0x2d: {  	s13 =	sadd.s32 $0x1, s13;
	[sflag:s11] =	ssyncset.done $0x0  }
0x2e: {  	p0 =	sne.s32 s13, s8;
	[sflag:s11] =	ssyncadd.s32 $0xFFFFF800  }
.Ltmp1:
0x2f: {  	[bflag:$0x0] =	sbarrier.arrive $0xFFFF;
	(pc) =	sbr.rel @p0 .LBB2_1-.Ltmp1, $4  }
0x30: {  	[hbm:s7], [sflag:s6] =	dma.local [spmem:s10], $0x2800  }
0x31: {  	_ =	swait.ge [sflag:s11], $0x2800  }
0x32: {  	[sflag:s11] =	ssyncset.done $0x0  }
0x33: {  	[sflag:s11] =	ssyncadd.s32 $0xFFFFD800  }
0x34: {  	_ =	sfence.sel $0x180000  }
0x35: {  	[bflag:$0x0] =	sbarrier.arrive $0xFFFF  }
0x36: {  	p0 =	sne.s32 s1, $0x0;
	_ =	strace $0x90000047  }
0x37: {  	s0 =	sadd.s32 @!p0 $0x100000, s0;
	[bflag:$0x2] =	sbarrier.arrive $0xFFFF  }
0x38: {  	[sflag:s0] =	ssyncadd.tile.s32 @!p0 $0x1;
	_ =	shalt  }
.Lfunc_end2:
_tile_overlayer_lowered:
.L_overlay_start_2:
0x39: {  	(tag) =	ssettag $0x2  }
0x3a: {  	s0 =	rddreg [dreg:$0x0];
	s2 =	stileid.u32  }
0x3b: {  	s1 =	rddreg [dreg:$0x1];
	p0 =	sne.s32 s2, $0x0  }
0x3c: {  	s3 =	rddreg [dreg:$0x2];
	[bflag:$0x3] =	sbarrier.arrive $0xFFFF;
	s2 =	simm.s32 @!p0 $0x1C01  }
0x3d: {  	[timem:s3], [sflag:s2] =	dma.local @!p0 [hbm:s0], s1  }
0x3e: {  	s0 =	simm.s32 @!p0 $0x1  }
0x3f: {  	_ =	swait.ge @!p0 [sflag:s0], s1  }
0x40: {  	s1 =	ssub.s32 @!p0 $0x0, s1;
	[sflag:s0] =	ssyncset.done @!p0 $0x0  }
0x41: {  	[sflag:s0] =	ssyncadd.s32 @!p0 s1  }
0x42: {  	[bflag:$0x3] =	sbarrier.arrive $0xFFFF  }
0x43: {  	_ =	shalt  }

</sc_bundles>
